<compile_context>
chip_gen: v7x
topology: tpu7x:2x2x1
jax: 0.10.2.dev20260603
libtpu: 0.0.44.dev20260713+nightly
codegen_flags: <defaults>
</compile_context>

<pallas_src>
import functools

import jax
import jax.numpy as jnp
from jax import lax
from jax.experimental import pallas as pl
from jax.experimental.pallas import tpu as pltpu
from jax.experimental.pallas import tpu_sc as plsc

N_NODES = 10000
N_EDGES = 320000
D = 128
BN_EPS = 1e-5

NC = 2
NS = 16
NW = NC * NS
EPT = N_EDGES // NW
EC = 200
NCHUNK = EPT // EC
N_PAD = 10240
RPT = N_PAD // NS

_sc_mesh = plsc.VectorSubcoreMesh(core_axis_name="c", subcore_axis_name="s")


def _agg_body(x_hbm, src_hbm, dst_hbm, ew_hbm, out_hbm, agg_sh, src_v, dst_v,
              ew_v, rows_v, sem):
    cid = lax.axis_index("c")
    sid = lax.axis_index("s")

    zeros = jnp.zeros((16,), jnp.float32)

    def _zbody(i, _):
        r = i // 8
        col = (i % 8) * 16
        rows_v[r, pl.ds(col, 16)] = zeros
        return 0

    lax.fori_loop(0, EC * 8, _zbody, 0)

    base_r = sid * RPT
    for off in range(0, RPT, EC):
        ln = min(EC, RPT - off)
        pltpu.sync_copy(rows_v.at[pl.ds(0, ln)],
                        agg_sh.at[pl.ds(base_r + off, ln)])
    plsc.subcore_barrier()

    base_e0 = (cid * NS + sid) * EPT

    def _chunk(k, _):
        be = base_e0 + k * EC
        pltpu.sync_copy(src_hbm.at[pl.ds(be, EC)], src_v)
        pltpu.sync_copy(dst_hbm.at[pl.ds(be, EC)], dst_v)
        pltpu.sync_copy(ew_hbm.at[pl.ds(be * 16, EC * 16)], ew_v)
        pltpu.async_copy(x_hbm.at[src_v], rows_v, sem).wait()

        def _scale(e, _):
            w = ew_v[pl.ds(e * 16, 16)]
            for j in range(8):
                rows_v[e, pl.ds(j * 16, 16)] = rows_v[e, pl.ds(j * 16, 16)] * w
            return 0

        lax.fori_loop(0, EC, _scale, 0)
        pltpu.sync_copy(rows_v, agg_sh.at[dst_v], add=True)
        return 0

    lax.fori_loop(0, NCHUNK, _chunk, 0)
    plsc.subcore_barrier()
    pltpu.sync_copy(agg_sh.at[pl.ds(base_r, RPT)],
                    out_hbm.at[cid, pl.ds(base_r, RPT)])


_sc_agg = pl.kernel(
    _agg_body,
    mesh=_sc_mesh,
    out_type=jax.ShapeDtypeStruct((NC, N_PAD, D), jnp.float32),
    scratch_types=[
        pltpu.VMEM_SHARED((N_PAD, D), jnp.float32),
        pltpu.VMEM((EC,), jnp.int32),
        pltpu.VMEM((EC,), jnp.int32),
        pltpu.VMEM((EC * 16,), jnp.float32),
        pltpu.VMEM((EC, D), jnp.float32),
        pltpu.SemaphoreType.DMA,
    ],
)

MW = 25
MB = 40


def _mask_body(h_hbm, mask_hbm, out_hbm, idx_v, rows_v, sem):
    cid = lax.axis_index("c")
    sid = lax.axis_index("s")
    wid = sid * NC + cid

    @pl.when(wid < MW)
    def _():
        base = wid * MB
        pltpu.sync_copy(mask_hbm.at[pl.ds(base, MB)], idx_v)
        pltpu.async_copy(h_hbm.at[idx_v], rows_v, sem).wait()
        pltpu.sync_copy(rows_v, out_hbm.at[pl.ds(base, MB)])


_sc_mask = pl.kernel(
    _mask_body,
    mesh=_sc_mesh,
    out_type=jax.ShapeDtypeStruct((1000, D), jnp.float32),
    scratch_types=[
        pltpu.VMEM((MB,), jnp.int32),
        pltpu.VMEM((MB, D), jnp.float32),
        pltpu.SemaphoreType.DMA,
    ],
)


def _mlp_body(x_ref, agg_ref, eps_ref, w1_ref, b1_ref, g1_ref, bt1_ref,
              w2_ref, b2_ref, g2_ref, bt2_ref, out_ref):
    eps = eps_ref[0, 0]
    a = agg_ref[...]
    h = x_ref[...] * (1.0 + eps) + a[0, :N_NODES] + a[1, :N_NODES]
    h = jnp.dot(h, w1_ref[...], preferred_element_type=jnp.float32)
    h = h + b1_ref[...]
    mu = jnp.mean(h, axis=0, keepdims=True)
    var = jnp.mean((h - mu) ** 2, axis=0, keepdims=True)
    h = (h - mu) * lax.rsqrt(var + BN_EPS) * g1_ref[...] + bt1_ref[...]
    h = jnp.maximum(h, 0.0)
    h = jnp.dot(h, w2_ref[...], preferred_element_type=jnp.float32)
    h = h + b2_ref[...]
    mu = jnp.mean(h, axis=0, keepdims=True)
    var = jnp.mean((h - mu) ** 2, axis=0, keepdims=True)
    h = (h - mu) * lax.rsqrt(var + BN_EPS) * g2_ref[...] + bt2_ref[...]
    out_ref[...] = jnp.maximum(h, 0.0)


def _tc_mlp(x, agg, eps, w1, b1, g1, bt1, w2, b2, g2, bt2):
    return pl.pallas_call(
        _mlp_body,
        out_shape=jax.ShapeDtypeStruct((N_NODES, D), jnp.float32),
    )(x, agg, jnp.reshape(eps, (1, 1)),
      w1, jnp.reshape(b1, (1, D)), jnp.reshape(g1, (1, D)),
      jnp.reshape(bt1, (1, D)),
      w2, jnp.reshape(b2, (1, D)), jnp.reshape(g2, (1, D)),
      jnp.reshape(bt2, (1, D)))


def kernel(x, edge_index, edge_weight, mask_teams,
           W1_0, b1_0, g1_0, bt1_0, W2_0, b2_0, g2_0, bt2_0, eps_0,
           W1_1, b1_1, g1_1, bt1_1, W2_1, b2_1, g2_1, bt2_1, eps_1):
    src = edge_index[0]
    dst = edge_index[1]
    ew16 = jnp.reshape(jnp.broadcast_to(edge_weight[:, None], (N_EDGES, 16)),
                       (N_EDGES * 16,))
    agg = _sc_agg(x, src, dst, ew16)
    h = _tc_mlp(x, agg, eps_0, W1_0, b1_0, g1_0, bt1_0,
                W2_0, b2_0, g2_0, bt2_0)
    agg = _sc_agg(h, src, dst, ew16)
    h = _tc_mlp(h, agg, eps_1, W1_1, b1_1, g1_1, bt1_1,
                W2_1, b2_1, g2_1, bt2_1)
    return _sc_mask(h, mask_teams)

# --- scband reference (transcript-rebuilt; emitter-appended) ---
"""Pipeline reference for scband-centrality-channel-42992622633780 (READ-ONLY COPY).

The authoritative reference and input builder live on the scoring server;
editing this copy changes nothing except your own understanding.
"""

import jax, jax.numpy as jnp
import numpy as np

N_NODES = 10000
N_EDGES = 320000
D_IN = 128
D_HID = 128
N_LAYERS = 2
N_MASK = 1000
BN_EPS = 1e-5


def _bn(h, gamma, beta):
    mean = jnp.mean(h, axis=0, keepdims=True)
    var = jnp.var(h, axis=0, keepdims=True)
    return (h - mean) / jnp.sqrt(var + BN_EPS) * gamma + beta


def _gin_layer(x, src, dst, ew, eps, W1, b1, g1, bt1, W2, b2, g2, bt2):
    # message: x_j * edge_weight, flow source_to_target (aggregate at dst)
    msg = x[src] * ew[:, None]
    agg = jax.ops.segment_sum(msg, dst, num_segments=N_NODES)
    h = (1.0 + eps) * x + agg
    # MLP: Linear -> BN -> ReLU -> Dropout(eval: identity) -> Linear -> BN -> ReLU
    h = h @ W1 + b1
    h = _bn(h, g1, bt1)
    h = jnp.maximum(h, 0.0)
    h = h @ W2 + b2
    h = _bn(h, g2, bt2)
    h = jnp.maximum(h, 0.0)
    return h


def setup_inputs(seed: int = 0):
    key = jax.random.key(seed)
    ks = jax.random.split(key, 8 + 9 * N_LAYERS)
    inp = {}
    inp["x"] = jax.random.normal(ks[0], (N_NODES, D_IN), dtype=jnp.float32)
    inp["edge_index"] = jax.random.randint(ks[1], (2, N_EDGES), 0, N_NODES, dtype=jnp.int32)
    inp["edge_weight"] = jax.random.uniform(ks[2], (N_EDGES,), dtype=jnp.float32)
    inp["mask_teams"] = jax.random.randint(ks[3], (N_MASK,), 0, N_NODES, dtype=jnp.int32)
    kidx = 4
    for l in range(N_LAYERS):
        din = D_IN if l == 0 else D_HID
        s1 = float(np.sqrt(6.0 / (din + D_HID)))
        s2 = float(np.sqrt(6.0 / (D_HID + D_HID)))
        inp[f"W1_{l}"] = jax.random.uniform(ks[kidx + 0], (din, D_HID), minval=-s1, maxval=s1, dtype=jnp.float32)
        inp[f"b1_{l}"] = jnp.zeros((D_HID,), dtype=jnp.float32)
        inp[f"g1_{l}"] = jnp.ones((D_HID,), dtype=jnp.float32)
        inp[f"bt1_{l}"] = jnp.zeros((D_HID,), dtype=jnp.float32)
        inp[f"W2_{l}"] = jax.random.uniform(ks[kidx + 1], (D_HID, D_HID), minval=-s2, maxval=s2, dtype=jnp.float32)
        inp[f"b2_{l}"] = jnp.zeros((D_HID,), dtype=jnp.float32)
        inp[f"g2_{l}"] = jnp.ones((D_HID,), dtype=jnp.float32)
        inp[f"bt2_{l}"] = jnp.zeros((D_HID,), dtype=jnp.float32)
        inp[f"eps_{l}"] = jnp.zeros((), dtype=jnp.float32)  # train_eps=True, init 0
        kidx += 2
    return inp


def reference(x, edge_index, edge_weight, mask_teams,
              W1_0, b1_0, g1_0, bt1_0, W2_0, b2_0, g2_0, bt2_0, eps_0,
              W1_1, b1_1, g1_1, bt1_1, W2_1, b2_1, g2_1, bt2_1, eps_1):
    src = edge_index[0]
    dst = edge_index[1]
    h = _gin_layer(x, src, dst, edge_weight, eps_0, W1_0, b1_0, g1_0, bt1_0, W2_0, b2_0, g2_0, bt2_0)
    h = _gin_layer(h, src, dst, edge_weight, eps_1, W1_1, b1_1, g1_1, bt1_1, W2_1, b2_1, g2_1, bt2_1)
    return h[mask_teams]

if __name__ == "__main__":
    import jax
    _d = setup_inputs()
    print(jax.jit(kernel)(*tuple(_d.values())))

</pallas_src>

<mosaic_0001>
#map = affine_map<(d0, d1) -> (0, 0)>
#map1 = affine_map<(d0, d1) -> (0)>
#map2 = affine_map<(d0, d1) -> (0, 0, 0)>
module attributes {stable_mosaic.version = 14 : i64} {
  func.func @_agg_body(%arg0: i32, %arg1: i32, %arg2: memref<10000x128xf32, #tpu.memory_space<hbm>>, %arg3: memref<320000xi32, #tpu.memory_space<hbm>>, %arg4: memref<320000xi32, #tpu.memory_space<hbm>>, %arg5: memref<5120000xf32, #tpu.memory_space<hbm>>, %arg6: memref<2x10240x128xf32, #tpu.memory_space<hbm>>, %arg7: memref<10240x128xf32, #tpu.memory_space<vmem_shared>>, %arg8: memref<200xi32, #tpu.memory_space<vmem>>, %arg9: memref<200xi32, #tpu.memory_space<vmem>>, %arg10: memref<3200xf32, #tpu.memory_space<vmem>>, %arg11: memref<200x128xf32, #tpu.memory_space<vmem>>, %arg12: memref<!tpu.dma_semaphore, #tpu.memory_space<semaphore_mem>>) attributes {dimension_semantics = [#tpu.dimension_semantics<core_parallel>, #tpu.dimension_semantics<subcore_parallel>], iteration_bounds = array<i64: 2, 16>, scalar_prefetch = 0 : i64, scratch_operands = 6 : i64, tpu.core_type = #tpu.core_type<sc_vector_subcore>, window_params = [{transform_indices = #map}, {transform_indices = #map1}, {transform_indices = #map1}, {transform_indices = #map1}, {transform_indices = #map2}]} {
    %broadcast_in_dim3A = arith.constant 0.000000e+00 : f32
    %broadcast_in_dim3A_0 = vector.broadcast %broadcast_in_dim3A : f32 to vector<16xf32>
    %scan3A = arith.constant 0 : i32
    %scan3A_1 = arith.constant 0 : i32
    %scan3A_2 = arith.constant 1600 : i32
    %scan3A_3 = arith.addi %scan3A_1, %scan3A_2 : i32
    %scan3A_4 = arith.constant 1 : i32
    %scan3A_5 = scf.for %scan3A_28 = %scan3A_1 to %scan3A_3 step %scan3A_4 iter_args(%scan3A_29 = %scan3A) -> (i32)  : i32 {
      %jit3A = arith.constant 8 : i32
      %div3A = arith.divsi %scan3A_28, %jit3A : i32
      %sign3A = arith.constant 0 : i32
      %sign3A_30 = arith.cmpi sgt, %scan3A_28, %sign3A : i32
      %sign3A_31 = arith.extui %sign3A_30 : i1 to i32
      %sign3A_32 = arith.constant 0 : i32
      %sign3A_33 = arith.cmpi slt, %scan3A_28, %sign3A_32 : i32
      %sign3A_34 = arith.extui %sign3A_33 : i1 to i32
      %sign3A_35 = arith.subi %sign3A_31, %sign3A_34 : i32
      %sign3A_36 = arith.constant 0 : i32
      %sign3A_37 = arith.cmpi sgt, %jit3A, %sign3A_36 : i32
      %sign3A_38 = arith.extui %sign3A_37 : i1 to i32
      %sign3A_39 = arith.constant 0 : i32
      %sign3A_40 = arith.cmpi slt, %jit3A, %sign3A_39 : i32
      %sign3A_41 = arith.extui %sign3A_40 : i1 to i32
      %sign3A_42 = arith.subi %sign3A_38, %sign3A_41 : i32
      %ne3A = arith.cmpi ne, %sign3A_35, %sign3A_42 : i32
      %rem3A = arith.remsi %scan3A_28, %jit3A : i32
      %ne3A_43 = arith.constant 0 : i32
      %ne3A_44 = arith.cmpi ne, %rem3A, %ne3A_43 : i32
      %and3A = arith.andi %ne3A, %ne3A_44 : i1
      %sub3A = arith.constant 1 : i32
      %sub3A_45 = arith.subi %div3A, %sub3A : i32
      %select_n3A = arith.select %and3A, %sub3A_45, %div3A : i32
      %jit3A_46 = arith.constant 8 : i32
      %eq3A = arith.constant 0 : i32
      %eq3A_47 = arith.cmpi eq, %jit3A_46, %eq3A : i32
      %jit3A_48 = arith.constant 1 : i32
      %select_n3A_49 = arith.select %eq3A_47, %jit3A_48, %jit3A_46 : i32
      %rem3A_50 = arith.remsi %scan3A_28, %select_n3A_49 : i32
      %ne3A_51 = arith.constant 0 : i32
      %ne3A_52 = arith.cmpi ne, %rem3A_50, %ne3A_51 : i32
      %lt3A = arith.constant 0 : i32
      %lt3A_53 = arith.cmpi slt, %rem3A_50, %lt3A : i32
      %lt3A_54 = arith.constant 0 : i32
      %lt3A_55 = arith.cmpi slt, %select_n3A_49, %lt3A_54 : i32
      %ne3A_56 = arith.xori %lt3A_53, %lt3A_55 : i1
      %and3A_57 = arith.andi %ne3A_56, %ne3A_52 : i1
      %add3A_58 = arith.addi %rem3A_50, %select_n3A_49 : i32
      %select_n3A_59 = arith.select %and3A_57, %add3A_58, %rem3A_50 : i32
      %mul3A_60 = arith.constant 16 : i32
      %mul3A_61 = arith.muli %select_n3A_59, %mul3A_60 : i32
      %swap3A = arith.index_cast %select_n3A : i32 to index
      %swap3A_62 = arith.index_cast %mul3A_61 : i32 to index
      %swap3A_63 = tpu.vector_load %arg11[%swap3A, %swap3A_62] {strides = array<i32>} : memref<200x128xf32, #tpu.memory_space<vmem>>, vector<1x16xf32>,
      %swap3A_64 = vector.shape_cast %swap3A_63 : vector<1x16xf32> to vector<16xf32>
      %swap3A_65 = vector.shape_cast %broadcast_in_dim3A_0 : vector<16xf32> to vector<1x16xf32>
      tpu.vector_store %arg11[%swap3A, %swap3A_62], %swap3A_65 {strides = array<i32>} : memref<200x128xf32, #tpu.memory_space<vmem>>, vector<1x16xf32>,
      %scan3A_66 = arith.constant 0 : i32
      scf.yield %scan3A_66 : i32
    }
    %scan3A_6 = arith.constant 1600 : i32
    %mul3A = arith.constant 640 : i32
    %mul3A_7 = arith.muli %arg1, %mul3A : i32
    %add3A = arith.constant 0 : i32
    %add3A_8 = arith.addi %mul3A_7, %add3A : i32
    "tpu.region"() ({
      %run_scoped3A = tpu.sem_alloc : memref<!tpu.dma_semaphore, #tpu.memory_space<semaphore_mem>>
      %dma_start3A = arith.constant 0 : i32
      %dma_start3A_28 = arith.constant 0 : i32
      %dma_start3A_29 = tpu.memref_slice %arg11[%dma_start3A, %dma_start3A_28] : memref<200x128xf32, #tpu.memory_space<vmem>> -> memref<200x128xf32, #tpu.memory_space<vmem>>
      %dma_start3A_30 = arith.constant 0 : i32
      %dma_start3A_31 = tpu.memref_slice %arg7[%add3A_8, %dma_start3A_30] : memref<10240x128xf32, #tpu.memory_space<vmem_shared>> -> memref<200x128xf32, #tpu.memory_space<vmem_shared>>
      %dma_start3A_32 = arith.constant 0 : i32
      %dma_start3A_33 = tpu.memref_slice %arg7[%add3A_8, %dma_start3A_32] : memref<10240x128xf32, #tpu.memory_space<vmem_shared>> -> memref<200x128xf32, #tpu.memory_space<vmem_shared>>
      %dma_start3A_34 = arith.constant 0 : i32
      %dma_start3A_35 = arith.constant 0 : i32
      %dma_start3A_36 = tpu.memref_slice %arg11[%dma_start3A_34, %dma_start3A_35] : memref<200x128xf32, #tpu.memory_space<vmem>> -> memref<200x128xf32, #tpu.memory_space<vmem>>
      tpu.enqueue_dma source(%dma_start3A_36 : memref<200x128xf32, #tpu.memory_space<vmem>>) target(%dma_start3A_33 : memref<200x128xf32, #tpu.memory_space<vmem_shared>>) target_semaphore(%run_scoped3A : memref<!tpu.dma_semaphore, #tpu.memory_space<semaphore_mem>>)
      %dma_wait3A = arith.constant 0 : i32
      %dma_wait3A_37 = arith.constant 0 : i32
      %dma_wait3A_38 = tpu.memref_slice %arg11[%dma_wait3A, %dma_wait3A_37] : memref<200x128xf32, #tpu.memory_space<vmem>> -> memref<200x128xf32, #tpu.memory_space<vmem>>
      %dma_wait3A_39 = arith.constant 0 : i32
      %dma_wait3A_40 = tpu.memref_slice %arg7[%add3A_8, %dma_wait3A_39] : memref<10240x128xf32, #tpu.memory_space<vmem_shared>> -> memref<200x128xf32, #tpu.memory_space<vmem_shared>>
      %dma_wait3A_41 = arith.constant 0 : i32
      %dma_wait3A_42 = tpu.memref_slice %arg7[%add3A_8, %dma_wait3A_41] : memref<10240x128xf32, #tpu.memory_space<vmem_shared>> -> memref<200x128xf32, #tpu.memory_space<vmem_shared>>
      %dma_wait3A_43 = arith.constant 0 : i32
      %dma_wait3A_44 = arith.constant 0 : i32
      %dma_wait3A_45 = tpu.memref_slice %arg11[%dma_wait3A_43, %dma_wait3A_44] : memref<200x128xf32, #tpu.memory_space<vmem>> -> memref<200x128xf32, #tpu.memory_space<vmem>>
      tpu.wait_dma2 semaphore(%run_scoped3A : memref<!tpu.dma_semaphore, #tpu.memory_space<semaphore_mem>>) src(%dma_wait3A_45 : memref<200x128xf32, #tpu.memory_space<vmem>>) dst(%dma_wait3A_42 : memref<200x128xf32, #tpu.memory_space<vmem_shared>>)
      tpu.yield
    }) : () -> ()
    %add3A_9 = arith.constant 200 : i32
    %add3A_10 = arith.addi %mul3A_7, %add3A_9 : i32
    "tpu.region"() ({
      %run_scoped3A = tpu.sem_alloc : memref<!tpu.dma_semaphore, #tpu.memory_space<semaphore_mem>>
      %dma_start3A = arith.constant 0 : i32
      %dma_start3A_28 = arith.constant 0 : i32
      %dma_start3A_29 = tpu.memref_slice %arg11[%dma_start3A, %dma_start3A_28] : memref<200x128xf32, #tpu.memory_space<vmem>> -> memref<200x128xf32, #tpu.memory_space<vmem>>
      %dma_start3A_30 = arith.constant 0 : i32
      %dma_start3A_31 = tpu.memref_slice %arg7[%add3A_10, %dma_start3A_30] : memref<10240x128xf32, #tpu.memory_space<vmem_shared>> -> memref<200x128xf32, #tpu.memory_space<vmem_shared>>
      %dma_start3A_32 = arith.constant 0 : i32
      %dma_start3A_33 = tpu.memref_slice %arg7[%add3A_10, %dma_start3A_32] : memref<10240x128xf32, #tpu.memory_space<vmem_shared>> -> memref<200x128xf32, #tpu.memory_space<vmem_shared>>
      %dma_start3A_34 = arith.constant 0 : i32
      %dma_start3A_35 = arith.constant 0 : i32
      %dma_start3A_36 = tpu.memref_slice %arg11[%dma_start3A_34, %dma_start3A_35] : memref<200x128xf32, #tpu.memory_space<vmem>> -> memref<200x128xf32, #tpu.memory_space<vmem>>
      tpu.enqueue_dma source(%dma_start3A_36 : memref<200x128xf32, #tpu.memory_space<vmem>>) target(%dma_start3A_33 : memref<200x128xf32, #tpu.memory_space<vmem_shared>>) target_semaphore(%run_scoped3A : memref<!tpu.dma_semaphore, #tpu.memory_space<semaphore_mem>>)
      %dma_wait3A = arith.constant 0 : i32
      %dma_wait3A_37 = arith.constant 0 : i32
      %dma_wait3A_38 = tpu.memref_slice %arg11[%dma_wait3A, %dma_wait3A_37] : memref<200x128xf32, #tpu.memory_space<vmem>> -> memref<200x128xf32, #tpu.memory_space<vmem>>
      %dma_wait3A_39 = arith.constant 0 : i32
      %dma_wait3A_40 = tpu.memref_slice %arg7[%add3A_10, %dma_wait3A_39] : memref<10240x128xf32, #tpu.memory_space<vmem_shared>> -> memref<200x128xf32, #tpu.memory_space<vmem_shared>>
      %dma_wait3A_41 = arith.constant 0 : i32
      %dma_wait3A_42 = tpu.memref_slice %arg7[%add3A_10, %dma_wait3A_41] : memref<10240x128xf32, #tpu.memory_space<vmem_shared>> -> memref<200x128xf32, #tpu.memory_space<vmem_shared>>
      %dma_wait3A_43 = arith.constant 0 : i32
      %dma_wait3A_44 = arith.constant 0 : i32
      %dma_wait3A_45 = tpu.memref_slice %arg11[%dma_wait3A_43, %dma_wait3A_44] : memref<200x128xf32, #tpu.memory_space<vmem>> -> memref<200x128xf32, #tpu.memory_space<vmem>>
      tpu.wait_dma2 semaphore(%run_scoped3A : memref<!tpu.dma_semaphore, #tpu.memory_space<semaphore_mem>>) src(%dma_wait3A_45 : memref<200x128xf32, #tpu.memory_space<vmem>>) dst(%dma_wait3A_42 : memref<200x128xf32, #tpu.memory_space<vmem_shared>>)
      tpu.yield
    }) : () -> ()
    %add3A_11 = arith.constant 400 : i32
    %add3A_12 = arith.addi %mul3A_7, %add3A_11 : i32
    "tpu.region"() ({
      %run_scoped3A = tpu.sem_alloc : memref<!tpu.dma_semaphore, #tpu.memory_space<semaphore_mem>>
      %dma_start3A = arith.constant 0 : i32
      %dma_start3A_28 = arith.constant 0 : i32
      %dma_start3A_29 = tpu.memref_slice %arg11[%dma_start3A, %dma_start3A_28] : memref<200x128xf32, #tpu.memory_space<vmem>> -> memref<200x128xf32, #tpu.memory_space<vmem>>
      %dma_start3A_30 = arith.constant 0 : i32
      %dma_start3A_31 = tpu.memref_slice %arg7[%add3A_12, %dma_start3A_30] : memref<10240x128xf32, #tpu.memory_space<vmem_shared>> -> memref<200x128xf32, #tpu.memory_space<vmem_shared>>
      %dma_start3A_32 = arith.constant 0 : i32
      %dma_start3A_33 = tpu.memref_slice %arg7[%add3A_12, %dma_start3A_32] : memref<10240x128xf32, #tpu.memory_space<vmem_shared>> -> memref<200x128xf32, #tpu.memory_space<vmem_shared>>
      %dma_start3A_34 = arith.constant 0 : i32
      %dma_start3A_35 = arith.constant 0 : i32
      %dma_start3A_36 = tpu.memref_slice %arg11[%dma_start3A_34, %dma_start3A_35] : memref<200x128xf32, #tpu.memory_space<vmem>> -> memref<200x128xf32, #tpu.memory_space<vmem>>
      tpu.enqueue_dma source(%dma_start3A_36 : memref<200x128xf32, #tpu.memory_space<vmem>>) target(%dma_start3A_33 : memref<200x128xf32, #tpu.memory_space<vmem_shared>>) target_semaphore(%run_scoped3A : memref<!tpu.dma_semaphore, #tpu.memory_space<semaphore_mem>>)
      %dma_wait3A = arith.constant 0 : i32
      %dma_wait3A_37 = arith.constant 0 : i32
      %dma_wait3A_38 = tpu.memref_slice %arg11[%dma_wait3A, %dma_wait3A_37] : memref<200x128xf32, #tpu.memory_space<vmem>> -> memref<200x128xf32, #tpu.memory_space<vmem>>
      %dma_wait3A_39 = arith.constant 0 : i32
      %dma_wait3A_40 = tpu.memref_slice %arg7[%add3A_12, %dma_wait3A_39] : memref<10240x128xf32, #tpu.memory_space<vmem_shared>> -> memref<200x128xf32, #tpu.memory_space<vmem_shared>>
      %dma_wait3A_41 = arith.constant 0 : i32
      %dma_wait3A_42 = tpu.memref_slice %arg7[%add3A_12, %dma_wait3A_41] : memref<10240x128xf32, #tpu.memory_space<vmem_shared>> -> memref<200x128xf32, #tpu.memory_space<vmem_shared>>
      %dma_wait3A_43 = arith.constant 0 : i32
      %dma_wait3A_44 = arith.constant 0 : i32
      %dma_wait3A_45 = tpu.memref_slice %arg11[%dma_wait3A_43, %dma_wait3A_44] : memref<200x128xf32, #tpu.memory_space<vmem>> -> memref<200x128xf32, #tpu.memory_space<vmem>>
      tpu.wait_dma2 semaphore(%run_scoped3A : memref<!tpu.dma_semaphore, #tpu.memory_space<semaphore_mem>>) src(%dma_wait3A_45 : memref<200x128xf32, #tpu.memory_space<vmem>>) dst(%dma_wait3A_42 : memref<200x128xf32, #tpu.memory_space<vmem_shared>>)
      tpu.yield
    }) : () -> ()
    %add3A_13 = arith.constant 600 : i32
    %add3A_14 = arith.addi %mul3A_7, %add3A_13 : i32
    "tpu.region"() ({
      %run_scoped3A = tpu.sem_alloc : memref<!tpu.dma_semaphore, #tpu.memory_space<semaphore_mem>>
      %dma_start3A = arith.constant 0 : i32
      %dma_start3A_28 = arith.constant 0 : i32
      %dma_start3A_29 = tpu.memref_slice %arg11[%dma_start3A, %dma_start3A_28] : memref<200x128xf32, #tpu.memory_space<vmem>> -> memref<40x128xf32, #tpu.memory_space<vmem>>
      %dma_start3A_30 = arith.constant 0 : i32
      %dma_start3A_31 = tpu.memref_slice %arg7[%add3A_14, %dma_start3A_30] : memref<10240x128xf32, #tpu.memory_space<vmem_shared>> -> memref<40x128xf32, #tpu.memory_space<vmem_shared>>
      %dma_start3A_32 = arith.constant 0 : i32
      %dma_start3A_33 = tpu.memref_slice %arg7[%add3A_14, %dma_start3A_32] : memref<10240x128xf32, #tpu.memory_space<vmem_shared>> -> memref<40x128xf32, #tpu.memory_space<vmem_shared>>
      %dma_start3A_34 = arith.constant 0 : i32
      %dma_start3A_35 = arith.constant 0 : i32
      %dma_start3A_36 = tpu.memref_slice %arg11[%dma_start3A_34, %dma_start3A_35] : memref<200x128xf32, #tpu.memory_space<vmem>> -> memref<40x128xf32, #tpu.memory_space<vmem>>
      tpu.enqueue_dma source(%dma_start3A_36 : memref<40x128xf32, #tpu.memory_space<vmem>>) target(%dma_start3A_33 : memref<40x128xf32, #tpu.memory_space<vmem_shared>>) target_semaphore(%run_scoped3A : memref<!tpu.dma_semaphore, #tpu.memory_space<semaphore_mem>>)
      %dma_wait3A = arith.constant 0 : i32
      %dma_wait3A_37 = arith.constant 0 : i32
      %dma_wait3A_38 = tpu.memref_slice %arg11[%dma_wait3A, %dma_wait3A_37] : memref<200x128xf32, #tpu.memory_space<vmem>> -> memref<40x128xf32, #tpu.memory_space<vmem>>
      %dma_wait3A_39 = arith.constant 0 : i32
      %dma_wait3A_40 = tpu.memref_slice %arg7[%add3A_14, %dma_wait3A_39] : memref<10240x128xf32, #tpu.memory_space<vmem_shared>> -> memref<40x128xf32, #tpu.memory_space<vmem_shared>>
      %dma_wait3A_41 = arith.constant 0 : i32
      %dma_wait3A_42 = tpu.memref_slice %arg7[%add3A_14, %dma_wait3A_41] : memref<10240x128xf32, #tpu.memory_space<vmem_shared>> -> memref<40x128xf32, #tpu.memory_space<vmem_shared>>
      %dma_wait3A_43 = arith.constant 0 : i32
      %dma_wait3A_44 = arith.constant 0 : i32
      %dma_wait3A_45 = tpu.memref_slice %arg11[%dma_wait3A_43, %dma_wait3A_44] : memref<200x128xf32, #tpu.memory_space<vmem>> -> memref<40x128xf32, #tpu.memory_space<vmem>>
      tpu.wait_dma2 semaphore(%run_scoped3A : memref<!tpu.dma_semaphore, #tpu.memory_space<semaphore_mem>>) src(%dma_wait3A_45 : memref<40x128xf32, #tpu.memory_space<vmem>>) dst(%dma_wait3A_42 : memref<40x128xf32, #tpu.memory_space<vmem_shared>>)
      tpu.yield
    }) : () -> ()
    %barrier3A = arith.constant 0 : index
    tpu.barrier barrier_id(%barrier3A)
    %mul3A_15 = arith.constant 16 : i32
    %mul3A_16 = arith.muli %arg0, %mul3A_15 : i32
    %add3A_17 = arith.addi %mul3A_16, %arg1 : i32
    %mul3A_18 = arith.constant 10000 : i32
    %mul3A_19 = arith.muli %add3A_17, %mul3A_18 : i32
    %scan3A_20 = arith.constant 0 : i32
    %scan3A_21 = arith.constant 0 : i32
    %scan3A_22 = arith.constant 50 : i32
    %scan3A_23 = arith.addi %scan3A_21, %scan3A_22 : i32
    %scan3A_24 = arith.constant 1 : i32
    %scan3A_25 = scf.for %scan3A_28 = %scan3A_21 to %scan3A_23 step %scan3A_24 iter_args(%scan3A_29 = %scan3A_20) -> (i32)  : i32 {
      %mul3A_30 = arith.constant 200 : i32
      %mul3A_31 = arith.muli %scan3A_28, %mul3A_30 : i32
      %add3A_32 = arith.addi %mul3A_19, %mul3A_31 : i32
      "tpu.region"() ({
        %run_scoped3A = tpu.sem_alloc : memref<!tpu.dma_semaphore, #tpu.memory_space<semaphore_mem>>
        %dma_start3A_47 = tpu.memref_slice %arg3[%add3A_32] : memref<320000xi32, #tpu.memory_space<hbm>> -> memref<200xi32, #tpu.memory_space<hbm>>
        %dma_start3A_48 = tpu.memref_slice %arg3[%add3A_32] : memref<320000xi32, #tpu.memory_space<hbm>> -> memref<200xi32, #tpu.memory_space<hbm>>
        tpu.enqueue_dma source(%dma_start3A_48 : memref<200xi32, #tpu.memory_space<hbm>>) target(%arg8 : memref<200xi32, #tpu.memory_space<vmem>>) target_semaphore(%run_scoped3A : memref<!tpu.dma_semaphore, #tpu.memory_space<semaphore_mem>>)
        %dma_wait3A_49 = tpu.memref_slice %arg3[%add3A_32] : memref<320000xi32, #tpu.memory_space<hbm>> -> memref<200xi32, #tpu.memory_space<hbm>>
        %dma_wait3A_50 = tpu.memref_slice %arg3[%add3A_32] : memref<320000xi32, #tpu.memory_space<hbm>> -> memref<200xi32, #tpu.memory_space<hbm>>
        tpu.wait_dma2 semaphore(%run_scoped3A : memref<!tpu.dma_semaphore, #tpu.memory_space<semaphore_mem>>) src(%dma_wait3A_50 : memref<200xi32, #tpu.memory_space<hbm>>) dst(%arg8 : memref<200xi32, #tpu.memory_space<vmem>>)
        tpu.yield
      }) : () -> ()
      "tpu.region"() ({
        %run_scoped3A = tpu.sem_alloc : memref<!tpu.dma_semaphore, #tpu.memory_space<semaphore_mem>>
        %dma_start3A_47 = tpu.memref_slice %arg4[%add3A_32] : memref<320000xi32, #tpu.memory_space<hbm>> -> memref<200xi32, #tpu.memory_space<hbm>>
        %dma_start3A_48 = tpu.memref_slice %arg4[%add3A_32] : memref<320000xi32, #tpu.memory_space<hbm>> -> memref<200xi32, #tpu.memory_space<hbm>>
        tpu.enqueue_dma source(%dma_start3A_48 : memref<200xi32, #tpu.memory_space<hbm>>) target(%arg9 : memref<200xi32, #tpu.memory_space<vmem>>) target_semaphore(%run_scoped3A : memref<!tpu.dma_semaphore, #tpu.memory_space<semaphore_mem>>)
        %dma_wait3A_49 = tpu.memref_slice %arg4[%add3A_32] : memref<320000xi32, #tpu.memory_space<hbm>> -> memref<200xi32, #tpu.memory_space<hbm>>
        %dma_wait3A_50 = tpu.memref_slice %arg4[%add3A_32] : memref<320000xi32, #tpu.memory_space<hbm>> -> memref<200xi32, #tpu.memory_space<hbm>>
        tpu.wait_dma2 semaphore(%run_scoped3A : memref<!tpu.dma_semaphore, #tpu.memory_space<semaphore_mem>>) src(%dma_wait3A_50 : memref<200xi32, #tpu.memory_space<hbm>>) dst(%arg9 : memref<200xi32, #tpu.memory_space<vmem>>)
        tpu.yield
      }) : () -> ()
      %mul3A_33 = arith.constant 16 : i32
      %mul3A_34 = arith.muli %add3A_32, %mul3A_33 : i32
      "tpu.region"() ({
        %run_scoped3A = tpu.sem_alloc : memref<!tpu.dma_semaphore, #tpu.memory_space<semaphore_mem>>
        %dma_start3A_47 = tpu.memref_slice %arg5[%mul3A_34] : memref<5120000xf32, #tpu.memory_space<hbm>> -> memref<3200xf32, #tpu.memory_space<hbm>>
        %dma_start3A_48 = tpu.memref_slice %arg5[%mul3A_34] : memref<5120000xf32, #tpu.memory_space<hbm>> -> memref<3200xf32, #tpu.memory_space<hbm>>
        tpu.enqueue_dma source(%dma_start3A_48 : memref<3200xf32, #tpu.memory_space<hbm>>) target(%arg10 : memref<3200xf32, #tpu.memory_space<vmem>>) target_semaphore(%run_scoped3A : memref<!tpu.dma_semaphore, #tpu.memory_space<semaphore_mem>>)
        %dma_wait3A_49 = tpu.memref_slice %arg5[%mul3A_34] : memref<5120000xf32, #tpu.memory_space<hbm>> -> memref<3200xf32, #tpu.memory_space<hbm>>
        %dma_wait3A_50 = tpu.memref_slice %arg5[%mul3A_34] : memref<5120000xf32, #tpu.memory_space<hbm>> -> memref<3200xf32, #tpu.memory_space<hbm>>
        tpu.wait_dma2 semaphore(%run_scoped3A : memref<!tpu.dma_semaphore, #tpu.memory_space<semaphore_mem>>) src(%dma_wait3A_50 : memref<3200xf32, #tpu.memory_space<hbm>>) dst(%arg10 : memref<3200xf32, #tpu.memory_space<vmem>>)
        tpu.yield
      }) : () -> ()
      %dma_start3A = arith.constant 0 : i32
      %dma_start3A_35 = arith.constant 0 : i32
      %dma_start3A_36 = tpu.memref_slice %arg2[%dma_start3A, %dma_start3A_35] : memref<10000x128xf32, #tpu.memory_space<hbm>> -> memref<10000x128xf32, #tpu.memory_space<hbm>>
      tpu.enqueue_indirect_dma source(%dma_start3A_36 : memref<10000x128xf32, #tpu.memory_space<hbm>>) target(%arg11 : memref<200x128xf32, #tpu.memory_space<vmem>>) offsets(%arg8 : memref<200xi32, #tpu.memory_space<vmem>>) semaphore(%arg12 : memref<!tpu.dma_semaphore, #tpu.memory_space<semaphore_mem>>)
      %dma_wait3A = arith.constant 0 : i32
      %dma_wait3A_37 = arith.constant 0 : i32
      %dma_wait3A_38 = tpu.memref_slice %arg2[%dma_wait3A, %dma_wait3A_37] : memref<10000x128xf32, #tpu.memory_space<hbm>> -> memref<10000x128xf32, #tpu.memory_space<hbm>>
      tpu.wait_indirect_dma semaphore(%arg12 : memref<!tpu.dma_semaphore, #tpu.memory_space<semaphore_mem>>) src(%dma_wait3A_38 : memref<10000x128xf32, #tpu.memory_space<hbm>>) dst(%arg11 : memref<200x128xf32, #tpu.memory_space<vmem>>)
      %scan3A_39 = arith.constant 0 : i32
      %scan3A_40 = arith.constant 0 : i32
      %scan3A_41 = arith.constant 200 : i32
      %scan3A_42 = arith.addi %scan3A_40, %scan3A_41 : i32
      %scan3A_43 = arith.constant 1 : i32
      %scan3A_44 = scf.for %scan3A_47 = %scan3A_40 to %scan3A_42 step %scan3A_43 iter_args(%scan3A_48 = %scan3A_39) -> (i32)  : i32 {
        %mul3A_49 = arith.constant 16 : i32
        %mul3A_50 = arith.muli %scan3A_47, %mul3A_49 : i32
        %get3A = arith.index_cast %mul3A_50 : i32 to index
        %get3A_51 = tpu.vector_load %arg10[%get3A] {strides = array<i32>} : memref<3200xf32, #tpu.memory_space<vmem>>, vector<16xf32>,
        %get3A_52 = vector.shape_cast %get3A_51 : vector<16xf32> to vector<16xf32>
        %get3A_53 = arith.index_cast %scan3A_47 : i32 to index
        %get3A_54 = arith.constant 0 : index
        %get3A_55 = tpu.vector_load %arg11[%get3A_53, %get3A_54] {strides = array<i32>} : memref<200x128xf32, #tpu.memory_space<vmem>>, vector<1x16xf32>,
        %get3A_56 = vector.shape_cast %get3A_55 : vector<1x16xf32> to vector<16xf32>
        %mul3A_57 = arith.mulf %get3A_56, %get3A_52 : vector<16xf32>
        %swap3A = arith.index_cast %scan3A_47 : i32 to index
        %swap3A_58 = arith.constant 0 : index
        %swap3A_59 = tpu.vector_load %arg11[%swap3A, %swap3A_58] {strides = array<i32>} : memref<200x128xf32, #tpu.memory_space<vmem>>, vector<1x16xf32>,
        %swap3A_60 = vector.shape_cast %swap3A_59 : vector<1x16xf32> to vector<16xf32>
        %swap3A_61 = vector.shape_cast %mul3A_57 : vector<16xf32> to vector<1x16xf32>
        tpu.vector_store %arg11[%swap3A, %swap3A_58], %swap3A_61 {strides = array<i32>} : memref<200x128xf32, #tpu.memory_space<vmem>>, vector<1x16xf32>,
        %get3A_62 = arith.index_cast %scan3A_47 : i32 to index
        %get3A_63 = arith.constant 16 : index
        %get3A_64 = tpu.vector_load %arg11[%get3A_62, %get3A_63] {strides = array<i32>} : memref<200x128xf32, #tpu.memory_space<vmem>>, vector<1x16xf32>,
        %get3A_65 = vector.shape_cast %get3A_64 : vector<1x16xf32> to vector<16xf32>
        %mul3A_66 = arith.mulf %get3A_65, %get3A_52 : vector<16xf32>
        %swap3A_67 = arith.index_cast %scan3A_47 : i32 to index
        %swap3A_68 = arith.constant 16 : index
        %swap3A_69 = tpu.vector_load %arg11[%swap3A_67, %swap3A_68] {strides = array<i32>} : memref<200x128xf32, #tpu.memory_space<vmem>>, vector<1x16xf32>,
        %swap3A_70 = vector.shape_cast %swap3A_69 : vector<1x16xf32> to vector<16xf32>
        %swap3A_71 = vector.shape_cast %mul3A_66 : vector<16xf32> to vector<1x16xf32>
        tpu.vector_store %arg11[%swap3A_67, %swap3A_68], %swap3A_71 {strides = array<i32>} : memref<200x128xf32, #tpu.memory_space<vmem>>, vector<1x16xf32>,
        %get3A_72 = arith.index_cast %scan3A_47 : i32 to index
        %get3A_73 = arith.constant 32 : index
        %get3A_74 = tpu.vector_load %arg11[%get3A_72, %get3A_73] {strides = array<i32>} : memref<200x128xf32, #tpu.memory_space<vmem>>, vector<1x16xf32>,
        %get3A_75 = vector.shape_cast %get3A_74 : vector<1x16xf32> to vector<16xf32>
        %mul3A_76 = arith.mulf %get3A_75, %get3A_52 : vector<16xf32>
        %swap3A_77 = arith.index_cast %scan3A_47 : i32 to index
        %swap3A_78 = arith.constant 32 : index
        %swap3A_79 = tpu.vector_load %arg11[%swap3A_77, %swap3A_78] {strides = array<i32>} : memref<200x128xf32, #tpu.memory_space<vmem>>, vector<1x16xf32>,
        %swap3A_80 = vector.shape_cast %swap3A_79 : vector<1x16xf32> to vector<16xf32>
        %swap3A_81 = vector.shape_cast %mul3A_76 : vector<16xf32> to vector<1x16xf32>
        tpu.vector_store %arg11[%swap3A_77, %swap3A_78], %swap3A_81 {strides = array<i32>} : memref<200x128xf32, #tpu.memory_space<vmem>>, vector<1x16xf32>,
        %get3A_82 = arith.index_cast %scan3A_47 : i32 to index
        %get3A_83 = arith.constant 48 : index
        %get3A_84 = tpu.vector_load %arg11[%get3A_82, %get3A_83] {strides = array<i32>} : memref<200x128xf32, #tpu.memory_space<vmem>>, vector<1x16xf32>,
        %get3A_85 = vector.shape_cast %get3A_84 : vector<1x16xf32> to vector<16xf32>
        %mul3A_86 = arith.mulf %get3A_85, %get3A_52 : vector<16xf32>
        %swap3A_87 = arith.index_cast %scan3A_47 : i32 to index
        %swap3A_88 = arith.constant 48 : index
        %swap3A_89 = tpu.vector_load %arg11[%swap3A_87, %swap3A_88] {strides = array<i32>} : memref<200x128xf32, #tpu.memory_space<vmem>>, vector<1x16xf32>,
        %swap3A_90 = vector.shape_cast %swap3A_89 : vector<1x16xf32> to vector<16xf32>
        %swap3A_91 = vector.shape_cast %mul3A_86 : vector<16xf32> to vector<1x16xf32>
        tpu.vector_store %arg11[%swap3A_87, %swap3A_88], %swap3A_91 {strides = array<i32>} : memref<200x128xf32, #tpu.memory_space<vmem>>, vector<1x16xf32>,
        %get3A_92 = arith.index_cast %scan3A_47 : i32 to index
        %get3A_93 = arith.constant 64 : index
        %get3A_94 = tpu.vector_load %arg11[%get3A_92, %get3A_93] {strides = array<i32>} : memref<200x128xf32, #tpu.memory_space<vmem>>, vector<1x16xf32>,
        %get3A_95 = vector.shape_cast %get3A_94 : vector<1x16xf32> to vector<16xf32>
        %mul3A_96 = arith.mulf %get3A_95, %get3A_52 : vector<16xf32>
        %swap3A_97 = arith.index_cast %scan3A_47 : i32 to index
        %swap3A_98 = arith.constant 64 : index
        %swap3A_99 = tpu.vector_load %arg11[%swap3A_97, %swap3A_98] {strides = array<i32>} : memref<200x128xf32, #tpu.memory_space<vmem>>, vector<1x16xf32>,
        %swap3A_100 = vector.shape_cast %swap3A_99 : vector<1x16xf32> to vector<16xf32>
        %swap3A_101 = vector.shape_cast %mul3A_96 : vector<16xf32> to vector<1x16xf32>
        tpu.vector_store %arg11[%swap3A_97, %swap3A_98], %swap3A_101 {strides = array<i32>} : memref<200x128xf32, #tpu.memory_space<vmem>>, vector<1x16xf32>,
        %get3A_102 = arith.index_cast %scan3A_47 : i32 to index
        %get3A_103 = arith.constant 80 : index
        %get3A_104 = tpu.vector_load %arg11[%get3A_102, %get3A_103] {strides = array<i32>} : memref<200x128xf32, #tpu.memory_space<vmem>>, vector<1x16xf32>,
        %get3A_105 = vector.shape_cast %get3A_104 : vector<1x16xf32> to vector<16xf32>
        %mul3A_106 = arith.mulf %get3A_105, %get3A_52 : vector<16xf32>
        %swap3A_107 = arith.index_cast %scan3A_47 : i32 to index
        %swap3A_108 = arith.constant 80 : index
        %swap3A_109 = tpu.vector_load %arg11[%swap3A_107, %swap3A_108] {strides = array<i32>} : memref<200x128xf32, #tpu.memory_space<vmem>>, vector<1x16xf32>,
        %swap3A_110 = vector.shape_cast %swap3A_109 : vector<1x16xf32> to vector<16xf32>
        %swap3A_111 = vector.shape_cast %mul3A_106 : vector<16xf32> to vector<1x16xf32>
        tpu.vector_store %arg11[%swap3A_107, %swap3A_108], %swap3A_111 {strides = array<i32>} : memref<200x128xf32, #tpu.memory_space<vmem>>, vector<1x16xf32>,
        %get3A_112 = arith.index_cast %scan3A_47 : i32 to index
        %get3A_113 = arith.constant 96 : index
        %get3A_114 = tpu.vector_load %arg11[%get3A_112, %get3A_113] {strides = array<i32>} : memref<200x128xf32, #tpu.memory_space<vmem>>, vector<1x16xf32>,
        %get3A_115 = vector.shape_cast %get3A_114 : vector<1x16xf32> to vector<16xf32>
        %mul3A_116 = arith.mulf %get3A_115, %get3A_52 : vector<16xf32>
        %swap3A_117 = arith.index_cast %scan3A_47 : i32 to index
        %swap3A_118 = arith.constant 96 : index
        %swap3A_119 = tpu.vector_load %arg11[%swap3A_117, %swap3A_118] {strides = array<i32>} : memref<200x128xf32, #tpu.memory_space<vmem>>, vector<1x16xf32>,
        %swap3A_120 = vector.shape_cast %swap3A_119 : vector<1x16xf32> to vector<16xf32>
        %swap3A_121 = vector.shape_cast %mul3A_116 : vector<16xf32> to vector<1x16xf32>
        tpu.vector_store %arg11[%swap3A_117, %swap3A_118], %swap3A_121 {strides = array<i32>} : memref<200x128xf32, #tpu.memory_space<vmem>>, vector<1x16xf32>,
        %get3A_122 = arith.index_cast %scan3A_47 : i32 to index
        %get3A_123 = arith.constant 112 : index
        %get3A_124 = tpu.vector_load %arg11[%get3A_122, %get3A_123] {strides = array<i32>} : memref<200x128xf32, #tpu.memory_space<vmem>>, vector<1x16xf32>,
        %get3A_125 = vector.shape_cast %get3A_124 : vector<1x16xf32> to vector<16xf32>
        %mul3A_126 = arith.mulf %get3A_125, %get3A_52 : vector<16xf32>
        %swap3A_127 = arith.index_cast %scan3A_47 : i32 to index
        %swap3A_128 = arith.constant 112 : index
        %swap3A_129 = tpu.vector_load %arg11[%swap3A_127, %swap3A_128] {strides = array<i32>} : memref<200x128xf32, #tpu.memory_space<vmem>>, vector<1x16xf32>,
        %swap3A_130 = vector.shape_cast %swap3A_129 : vector<1x16xf32> to vector<16xf32>
        %swap3A_131 = vector.shape_cast %mul3A_126 : vector<16xf32> to vector<1x16xf32>
        tpu.vector_store %arg11[%swap3A_127, %swap3A_128], %swap3A_131 {strides = array<i32>} : memref<200x128xf32, #tpu.memory_space<vmem>>, vector<1x16xf32>,
        %scan3A_132 = arith.constant 0 : i32
        scf.yield %scan3A_132 : i32
      }
      %scan3A_45 = arith.constant 200 : i32
      "tpu.region"() ({
        %run_scoped3A = tpu.sem_alloc : memref<!tpu.dma_semaphore, #tpu.memory_space<semaphore_mem>>
        %dma_start3A_47 = arith.constant 0 : i32
        %dma_start3A_48 = arith.constant 0 : i32
        %dma_start3A_49 = tpu.memref_slice %arg7[%dma_start3A_47, %dma_start3A_48] : memref<10240x128xf32, #tpu.memory_space<vmem_shared>> -> memref<10240x128xf32, #tpu.memory_space<vmem_shared>>
        tpu.enqueue_indirect_dma source(%arg11 : memref<200x128xf32, #tpu.memory_space<vmem>>) target(%dma_start3A_49 : memref<10240x128xf32, #tpu.memory_space<vmem_shared>>) offsets(%arg9 : memref<200xi32, #tpu.memory_space<vmem>>) semaphore(%run_scoped3A : memref<!tpu.dma_semaphore, #tpu.memory_space<semaphore_mem>>) {add = true}
        %dma_wait3A_50 = arith.constant 0 : i32
        %dma_wait3A_51 = arith.constant 0 : i32
        %dma_wait3A_52 = tpu.memref_slice %arg7[%dma_wait3A_50, %dma_wait3A_51] : memref<10240x128xf32, #tpu.memory_space<vmem_shared>> -> memref<10240x128xf32, #tpu.memory_space<vmem_shared>>
        tpu.wait_indirect_dma semaphore(%run_scoped3A : memref<!tpu.dma_semaphore, #tpu.memory_space<semaphore_mem>>) src(%arg11 : memref<200x128xf32, #tpu.memory_space<vmem>>) dst(%dma_wait3A_52 : memref<10240x128xf32, #tpu.memory_space<vmem_shared>>)
        tpu.yield
      }) : () -> ()
      %scan3A_46 = arith.constant 0 : i32
      scf.yield %scan3A_46 : i32
    }
    %scan3A_26 = arith.constant 50 : i32
    %barrier3A_27 = arith.constant 0 : index
    tpu.barrier barrier_id(%barrier3A_27)
    "tpu.region"() ({
      %run_scoped3A = tpu.sem_alloc : memref<!tpu.dma_semaphore, #tpu.memory_space<semaphore_mem>>
      %dma_start3A = arith.constant 0 : i32
      %dma_start3A_28 = tpu.memref_slice %arg6[%arg0, %mul3A_7, %dma_start3A] : memref<2x10240x128xf32, #tpu.memory_space<hbm>> -> memref<1x640x128xf32, #tpu.memory_space<hbm>>
      %dma_start3A_29 = tpu.memref_squeeze %dma_start3A_28 : memref<1x640x128xf32, #tpu.memory_space<hbm>> -> memref<640x128xf32, #tpu.memory_space<hbm>>
      %dma_start3A_30 = arith.constant 0 : i32
      %dma_start3A_31 = tpu.memref_slice %arg7[%mul3A_7, %dma_start3A_30] : memref<10240x128xf32, #tpu.memory_space<vmem_shared>> -> memref<640x128xf32, #tpu.memory_space<vmem_shared>>
      tpu.enqueue_dma source(%dma_start3A_31 : memref<640x128xf32, #tpu.memory_space<vmem_shared>>) target(%dma_start3A_29 : memref<640x128xf32, #tpu.memory_space<hbm>>) target_semaphore(%run_scoped3A : memref<!tpu.dma_semaphore, #tpu.memory_space<semaphore_mem>>)
      %dma_wait3A = arith.constant 0 : i32
      %dma_wait3A_32 = tpu.memref_slice %arg6[%arg0, %mul3A_7, %dma_wait3A] : memref<2x10240x128xf32, #tpu.memory_space<hbm>> -> memref<1x640x128xf32, #tpu.memory_space<hbm>>
      %dma_wait3A_33 = tpu.memref_squeeze %dma_wait3A_32 : memref<1x640x128xf32, #tpu.memory_space<hbm>> -> memref<640x128xf32, #tpu.memory_space<hbm>>
      %dma_wait3A_34 = arith.constant 0 : i32
      %dma_wait3A_35 = tpu.memref_slice %arg7[%mul3A_7, %dma_wait3A_34] : memref<10240x128xf32, #tpu.memory_space<vmem_shared>> -> memref<640x128xf32, #tpu.memory_space<vmem_shared>>
      tpu.wait_dma2 semaphore(%run_scoped3A : memref<!tpu.dma_semaphore, #tpu.memory_space<semaphore_mem>>) src(%dma_wait3A_35 : memref<640x128xf32, #tpu.memory_space<vmem_shared>>) dst(%dma_wait3A_33 : memref<640x128xf32, #tpu.memory_space<hbm>>)
      tpu.yield
    }) : () -> ()
    return
  }
}

#map = affine_map<(d0, d1) -> (0, 0)>
#map1 = affine_map<(d0, d1) -> (0)>
module attributes {stable_mosaic.version = 14 : i64} {
  func.func @_mask_body(%arg0: i32, %arg1: i32, %arg2: memref<10000x128xf32, #tpu.memory_space<hbm>>, %arg3: memref<1000xi32, #tpu.memory_space<hbm>>, %arg4: memref<1000x128xf32, #tpu.memory_space<hbm>>, %arg5: memref<40xi32, #tpu.memory_space<vmem>>, %arg6: memref<40x128xf32, #tpu.memory_space<vmem>>, %arg7: memref<!tpu.dma_semaphore, #tpu.memory_space<semaphore_mem>>) attributes {dimension_semantics = [#tpu.dimension_semantics<core_parallel>, #tpu.dimension_semantics<subcore_parallel>], iteration_bounds = array<i64: 2, 16>, scalar_prefetch = 0 : i64, scratch_operands = 3 : i64, tpu.core_type = #tpu.core_type<sc_vector_subcore>, window_params = [{transform_indices = #map}, {transform_indices = #map1}, {transform_indices = #map}]} {
    %mul3A = arith.constant 2 : i32
    %mul3A_0 = arith.muli %arg1, %mul3A : i32
    %add3A = arith.addi %mul3A_0, %arg0 : i32
    %lt3A = arith.constant 25 : i32
    %lt3A_1 = arith.cmpi slt, %add3A, %lt3A : i32
    %convert_element_type3A = arith.extui %lt3A_1 : i1 to i32
    %cond3A = arith.constant 0 : i32
    %cond3A_2 = arith.cmpi ne, %convert_element_type3A, %cond3A : i32
    scf.if %cond3A_2 {
      %mul3A_3 = arith.constant 40 : i32
      %mul3A_4 = arith.muli %add3A, %mul3A_3 : i32
      "tpu.region"() ({
        %run_scoped3A = tpu.sem_alloc : memref<!tpu.dma_semaphore, #tpu.memory_space<semaphore_mem>>
        %dma_start3A_9 = tpu.memref_slice %arg3[%mul3A_4] : memref<1000xi32, #tpu.memory_space<hbm>> -> memref<40xi32, #tpu.memory_space<hbm>>
        %dma_start3A_10 = tpu.memref_slice %arg3[%mul3A_4] : memref<1000xi32, #tpu.memory_space<hbm>> -> memref<40xi32, #tpu.memory_space<hbm>>
        tpu.enqueue_dma source(%dma_start3A_10 : memref<40xi32, #tpu.memory_space<hbm>>) target(%arg5 : memref<40xi32, #tpu.memory_space<vmem>>) target_semaphore(%run_scoped3A : memref<!tpu.dma_semaphore, #tpu.memory_space<semaphore_mem>>)
        %dma_wait3A_11 = tpu.memref_slice %arg3[%mul3A_4] : memref<1000xi32, #tpu.memory_space<hbm>> -> memref<40xi32, #tpu.memory_space<hbm>>
        %dma_wait3A_12 = tpu.memref_slice %arg3[%mul3A_4] : memref<1000xi32, #tpu.memory_space<hbm>> -> memref<40xi32, #tpu.memory_space<hbm>>
        tpu.wait_dma2 semaphore(%run_scoped3A : memref<!tpu.dma_semaphore, #tpu.memory_space<semaphore_mem>>) src(%dma_wait3A_12 : memref<40xi32, #tpu.memory_space<hbm>>) dst(%arg5 : memref<40xi32, #tpu.memory_space<vmem>>)
        tpu.yield
      }) : () -> ()
      %dma_start3A = arith.constant 0 : i32
      %dma_start3A_5 = arith.constant 0 : i32
      %dma_start3A_6 = tpu.memref_slice %arg2[%dma_start3A, %dma_start3A_5] : memref<10000x128xf32, #tpu.memory_space<hbm>> -> memref<10000x128xf32, #tpu.memory_space<hbm>>
      tpu.enqueue_indirect_dma source(%dma_start3A_6 : memref<10000x128xf32, #tpu.memory_space<hbm>>) target(%arg6 : memref<40x128xf32, #tpu.memory_space<vmem>>) offsets(%arg5 : memref<40xi32, #tpu.memory_space<vmem>>) semaphore(%arg7 : memref<!tpu.dma_semaphore, #tpu.memory_space<semaphore_mem>>)
      %dma_wait3A = arith.constant 0 : i32
      %dma_wait3A_7 = arith.constant 0 : i32
      %dma_wait3A_8 = tpu.memref_slice %arg2[%dma_wait3A, %dma_wait3A_7] : memref<10000x128xf32, #tpu.memory_space<hbm>> -> memref<10000x128xf32, #tpu.memory_space<hbm>>
      tpu.wait_indirect_dma semaphore(%arg7 : memref<!tpu.dma_semaphore, #tpu.memory_space<semaphore_mem>>) src(%dma_wait3A_8 : memref<10000x128xf32, #tpu.memory_space<hbm>>) dst(%arg6 : memref<40x128xf32, #tpu.memory_space<vmem>>)
      "tpu.region"() ({
        %run_scoped3A = tpu.sem_alloc : memref<!tpu.dma_semaphore, #tpu.memory_space<semaphore_mem>>
        %dma_start3A_9 = arith.constant 0 : i32
        %dma_start3A_10 = tpu.memref_slice %arg4[%mul3A_4, %dma_start3A_9] : memref<1000x128xf32, #tpu.memory_space<hbm>> -> memref<40x128xf32, #tpu.memory_space<hbm>>
        %dma_start3A_11 = arith.constant 0 : i32
        %dma_start3A_12 = tpu.memref_slice %arg4[%mul3A_4, %dma_start3A_11] : memref<1000x128xf32, #tpu.memory_space<hbm>> -> memref<40x128xf32, #tpu.memory_space<hbm>>
        tpu.enqueue_dma source(%arg6 : memref<40x128xf32, #tpu.memory_space<vmem>>) target(%dma_start3A_12 : memref<40x128xf32, #tpu.memory_space<hbm>>) target_semaphore(%run_scoped3A : memref<!tpu.dma_semaphore, #tpu.memory_space<semaphore_mem>>)
        %dma_wait3A_13 = arith.constant 0 : i32
        %dma_wait3A_14 = tpu.memref_slice %arg4[%mul3A_4, %dma_wait3A_13] : memref<1000x128xf32, #tpu.memory_space<hbm>> -> memref<40x128xf32, #tpu.memory_space<hbm>>
        %dma_wait3A_15 = arith.constant 0 : i32
        %dma_wait3A_16 = tpu.memref_slice %arg4[%mul3A_4, %dma_wait3A_15] : memref<1000x128xf32, #tpu.memory_space<hbm>> -> memref<40x128xf32, #tpu.memory_space<hbm>>
        tpu.wait_dma2 semaphore(%run_scoped3A : memref<!tpu.dma_semaphore, #tpu.memory_space<semaphore_mem>>) src(%arg6 : memref<40x128xf32, #tpu.memory_space<vmem>>) dst(%dma_wait3A_16 : memref<40x128xf32, #tpu.memory_space<hbm>>)
        tpu.yield
      }) : () -> ()
    } else {
    }
    return
  }
}

#map = affine_map<(d0, d1) -> (0, 0)>
#map1 = affine_map<(d0, d1) -> (0)>
#map2 = affine_map<(d0, d1) -> (0, 0, 0)>
module attributes {stable_mosaic.version = 14 : i64} {
  func.func @_agg_body(%arg0: i32, %arg1: i32, %arg2: memref<10000x128xf32, #tpu.memory_space<hbm>>, %arg3: memref<320000xi32, #tpu.memory_space<hbm>>, %arg4: memref<320000xi32, #tpu.memory_space<hbm>>, %arg5: memref<5120000xf32, #tpu.memory_space<hbm>>, %arg6: memref<2x10240x128xf32, #tpu.memory_space<hbm>>, %arg7: memref<10240x128xf32, #tpu.memory_space<vmem_shared>>, %arg8: memref<200xi32, #tpu.memory_space<vmem>>, %arg9: memref<200xi32, #tpu.memory_space<vmem>>, %arg10: memref<3200xf32, #tpu.memory_space<vmem>>, %arg11: memref<200x128xf32, #tpu.memory_space<vmem>>, %arg12: memref<!tpu.dma_semaphore, #tpu.memory_space<semaphore_mem>>) attributes {dimension_semantics = [#tpu.dimension_semantics<core_parallel>, #tpu.dimension_semantics<subcore_parallel>], iteration_bounds = array<i64: 2, 16>, scalar_prefetch = 0 : i64, scratch_operands = 6 : i64, tpu.core_type = #tpu.core_type<sc_vector_subcore>, window_params = [{transform_indices = #map}, {transform_indices = #map1}, {transform_indices = #map1}, {transform_indices = #map1}, {transform_indices = #map2}]} {
    %broadcast_in_dim3A = arith.constant 0.000000e+00 : f32
    %broadcast_in_dim3A_0 = vector.broadcast %broadcast_in_dim3A : f32 to vector<16xf32>
    %scan3A = arith.constant 0 : i32
    %scan3A_1 = arith.constant 0 : i32
    %scan3A_2 = arith.constant 1600 : i32
    %scan3A_3 = arith.addi %scan3A_1, %scan3A_2 : i32
    %scan3A_4 = arith.constant 1 : i32
    %scan3A_5 = scf.for %scan3A_28 = %scan3A_1 to %scan3A_3 step %scan3A_4 iter_args(%scan3A_29 = %scan3A) -> (i32)  : i32 {
      %jit3A = arith.constant 8 : i32
      %div3A = arith.divsi %scan3A_28, %jit3A : i32
      %sign3A = arith.constant 0 : i32
      %sign3A_30 = arith.cmpi sgt, %scan3A_28, %sign3A : i32
      %sign3A_31 = arith.extui %sign3A_30 : i1 to i32
      %sign3A_32 = arith.constant 0 : i32
      %sign3A_33 = arith.cmpi slt, %scan3A_28, %sign3A_32 : i32
      %sign3A_34 = arith.extui %sign3A_33 : i1 to i32
      %sign3A_35 = arith.subi %sign3A_31, %sign3A_34 : i32
      %sign3A_36 = arith.constant 0 : i32
      %sign3A_37 = arith.cmpi sgt, %jit3A, %sign3A_36 : i32
      %sign3A_38 = arith.extui %sign3A_37 : i1 to i32
      %sign3A_39 = arith.constant 0 : i32
      %sign3A_40 = arith.cmpi slt, %jit3A, %sign3A_39 : i32
      %sign3A_41 = arith.extui %sign3A_40 : i1 to i32
      %sign3A_42 = arith.subi %sign3A_38, %sign3A_41 : i32
      %ne3A = arith.cmpi ne, %sign3A_35, %sign3A_42 : i32
      %rem3A = arith.remsi %scan3A_28, %jit3A : i32
      %ne3A_43 = arith.constant 0 : i32
      %ne3A_44 = arith.cmpi ne, %rem3A, %ne3A_43 : i32
      %and3A = arith.andi %ne3A, %ne3A_44 : i1
      %sub3A = arith.constant 1 : i32
      %sub3A_45 = arith.subi %div3A, %sub3A : i32
      %select_n3A = arith.select %and3A, %sub3A_45, %div3A : i32
      %jit3A_46 = arith.constant 8 : i32
      %eq3A = arith.constant 0 : i32
      %eq3A_47 = arith.cmpi eq, %jit3A_46, %eq3A : i32
      %jit3A_48 = arith.constant 1 : i32
      %select_n3A_49 = arith.select %eq3A_47, %jit3A_48, %jit3A_46 : i32
      %rem3A_50 = arith.remsi %scan3A_28, %select_n3A_49 : i32
      %ne3A_51 = arith.constant 0 : i32
      %ne3A_52 = arith.cmpi ne, %rem3A_50, %ne3A_51 : i32
      %lt3A = arith.constant 0 : i32
      %lt3A_53 = arith.cmpi slt, %rem3A_50, %lt3A : i32
      %lt3A_54 = arith.constant 0 : i32
      %lt3A_55 = arith.cmpi slt, %select_n3A_49, %lt3A_54 : i32
      %ne3A_56 = arith.xori %lt3A_53, %lt3A_55 : i1
      %and3A_57 = arith.andi %ne3A_56, %ne3A_52 : i1
      %add3A_58 = arith.addi %rem3A_50, %select_n3A_49 : i32
      %select_n3A_59 = arith.select %and3A_57, %add3A_58, %rem3A_50 : i32
      %mul3A_60 = arith.constant 16 : i32
      %mul3A_61 = arith.muli %select_n3A_59, %mul3A_60 : i32
      %swap3A = arith.index_cast %select_n3A : i32 to index
      %swap3A_62 = arith.index_cast %mul3A_61 : i32 to index
      %swap3A_63 = tpu.vector_load %arg11[%swap3A, %swap3A_62] {strides = array<i32>} : memref<200x128xf32, #tpu.memory_space<vmem>>, vector<1x16xf32>,
      %swap3A_64 = vector.shape_cast %swap3A_63 : vector<1x16xf32> to vector<16xf32>
      %swap3A_65 = vector.shape_cast %broadcast_in_dim3A_0 : vector<16xf32> to vector<1x16xf32>
      tpu.vector_store %arg11[%swap3A, %swap3A_62], %swap3A_65 {strides = array<i32>} : memref<200x128xf32, #tpu.memory_space<vmem>>, vector<1x16xf32>,
      %scan3A_66 = arith.constant 0 : i32
      scf.yield %scan3A_66 : i32
    }
    %scan3A_6 = arith.constant 1600 : i32
    %mul3A = arith.constant 640 : i32
    %mul3A_7 = arith.muli %arg1, %mul3A : i32
    %add3A = arith.constant 0 : i32
    %add3A_8 = arith.addi %mul3A_7, %add3A : i32
    "tpu.region"() ({
      %run_scoped3A = tpu.sem_alloc : memref<!tpu.dma_semaphore, #tpu.memory_space<semaphore_mem>>
      %dma_start3A = arith.constant 0 : i32
      %dma_start3A_28 = arith.constant 0 : i32
      %dma_start3A_29 = tpu.memref_slice %arg11[%dma_start3A, %dma_start3A_28] : memref<200x128xf32, #tpu.memory_space<vmem>> -> memref<200x128xf32, #tpu.memory_space<vmem>>
      %dma_start3A_30 = arith.constant 0 : i32
      %dma_start3A_31 = tpu.memref_slice %arg7[%add3A_8, %dma_start3A_30] : memref<10240x128xf32, #tpu.memory_space<vmem_shared>> -> memref<200x128xf32, #tpu.memory_space<vmem_shared>>
      %dma_start3A_32 = arith.constant 0 : i32
      %dma_start3A_33 = tpu.memref_slice %arg7[%add3A_8, %dma_start3A_32] : memref<10240x128xf32, #tpu.memory_space<vmem_shared>> -> memref<200x128xf32, #tpu.memory_space<vmem_shared>>
      %dma_start3A_34 = arith.constant 0 : i32
      %dma_start3A_35 = arith.constant 0 : i32
      %dma_start3A_36 = tpu.memref_slice %arg11[%dma_start3A_34, %dma_start3A_35] : memref<200x128xf32, #tpu.memory_space<vmem>> -> memref<200x128xf32, #tpu.memory_space<vmem>>
      tpu.enqueue_dma source(%dma_start3A_36 : memref<200x128xf32, #tpu.memory_space<vmem>>) target(%dma_start3A_33 : memref<200x128xf32, #tpu.memory_space<vmem_shared>>) target_semaphore(%run_scoped3A : memref<!tpu.dma_semaphore, #tpu.memory_space<semaphore_mem>>)
      %dma_wait3A = arith.constant 0 : i32
      %dma_wait3A_37 = arith.constant 0 : i32
      %dma_wait3A_38 = tpu.memref_slice %arg11[%dma_wait3A, %dma_wait3A_37] : memref<200x128xf32, #tpu.memory_space<vmem>> -> memref<200x128xf32, #tpu.memory_space<vmem>>
      %dma_wait3A_39 = arith.constant 0 : i32
      %dma_wait3A_40 = tpu.memref_slice %arg7[%add3A_8, %dma_wait3A_39] : memref<10240x128xf32, #tpu.memory_space<vmem_shared>> -> memref<200x128xf32, #tpu.memory_space<vmem_shared>>
      %dma_wait3A_41 = arith.constant 0 : i32
      %dma_wait3A_42 = tpu.memref_slice %arg7[%add3A_8, %dma_wait3A_41] : memref<10240x128xf32, #tpu.memory_space<vmem_shared>> -> memref<200x128xf32, #tpu.memory_space<vmem_shared>>
      %dma_wait3A_43 = arith.constant 0 : i32
      %dma_wait3A_44 = arith.constant 0 : i32
      %dma_wait3A_45 = tpu.memref_slice %arg11[%dma_wait3A_43, %dma_wait3A_44] : memref<200x128xf32, #tpu.memory_space<vmem>> -> memref<200x128xf32, #tpu.memory_space<vmem>>
      tpu.wait_dma2 semaphore(%run_scoped3A : memref<!tpu.dma_semaphore, #tpu.memory_space<semaphore_mem>>) src(%dma_wait3A_45 : memref<200x128xf32, #tpu.memory_space<vmem>>) dst(%dma_wait3A_42 : memref<200x128xf32, #tpu.memory_space<vmem_shared>>)
      tpu.yield
    }) : () -> ()
    %add3A_9 = arith.constant 200 : i32
    %add3A_10 = arith.addi %mul3A_7, %add3A_9 : i32
    "tpu.region"() ({
      %run_scoped3A = tpu.sem_alloc : memref<!tpu.dma_semaphore, #tpu.memory_space<semaphore_mem>>
      %dma_start3A = arith.constant 0 : i32
      %dma_start3A_28 = arith.constant 0 : i32
      %dma_start3A_29 = tpu.memref_slice %arg11[%dma_start3A, %dma_start3A_28] : memref<200x128xf32, #tpu.memory_space<vmem>> -> memref<200x128xf32, #tpu.memory_space<vmem>>
      %dma_start3A_30 = arith.constant 0 : i32
      %dma_start3A_31 = tpu.memref_slice %arg7[%add3A_10, %dma_start3A_30] : memref<10240x128xf32, #tpu.memory_space<vmem_shared>> -> memref<200x128xf32, #tpu.memory_space<vmem_shared>>
      %dma_start3A_32 = arith.constant 0 : i32
      %dma_start3A_33 = tpu.memref_slice %arg7[%add3A_10, %dma_start3A_32] : memref<10240x128xf32, #tpu.memory_space<vmem_shared>> -> memref<200x128xf32, #tpu.memory_space<vmem_shared>>
      %dma_start3A_34 = arith.constant 0 : i32
      %dma_start3A_35 = arith.constant 0 : i32
      %dma_start3A_36 = tpu.memref_slice %arg11[%dma_start3A_34, %dma_start3A_35] : memref<200x128xf32, #tpu.memory_space<vmem>> -> memref<200x128xf32, #tpu.memory_space<vmem>>
      tpu.enqueue_dma source(%dma_start3A_36 : memref<200x128xf32, #tpu.memory_space<vmem>>) target(%dma_start3A_33 : memref<200x128xf32, #tpu.memory_space<vmem_shared>>) target_semaphore(%run_scoped3A : memref<!tpu.dma_semaphore, #tpu.memory_space<semaphore_mem>>)
      %dma_wait3A = arith.constant 0 : i32
      %dma_wait3A_37 = arith.constant 0 : i32
      %dma_wait3A_38 = tpu.memref_slice %arg11[%dma_wait3A, %dma_wait3A_37] : memref<200x128xf32, #tpu.memory_space<vmem>> -> memref<200x128xf32, #tpu.memory_space<vmem>>
      %dma_wait3A_39 = arith.constant 0 : i32
      %dma_wait3A_40 = tpu.memref_slice %arg7[%add3A_10, %dma_wait3A_39] : memref<10240x128xf32, #tpu.memory_space<vmem_shared>> -> memref<200x128xf32, #tpu.memory_space<vmem_shared>>
      %dma_wait3A_41 = arith.constant 0 : i32
      %dma_wait3A_42 = tpu.memref_slice %arg7[%add3A_10, %dma_wait3A_41] : memref<10240x128xf32, #tpu.memory_space<vmem_shared>> -> memref<200x128xf32, #tpu.memory_space<vmem_shared>>
      %dma_wait3A_43 = arith.constant 0 : i32
      %dma_wait3A_44 = arith.constant 0 : i32
      %dma_wait3A_45 = tpu.memref_slice %arg11[%dma_wait3A_43, %dma_wait3A_44] : memref<200x128xf32, #tpu.memory_space<vmem>> -> memref<200x128xf32, #tpu.memory_space<vmem>>
      tpu.wait_dma2 semaphore(%run_scoped3A : memref<!tpu.dma_semaphore, #tpu.memory_space<semaphore_mem>>) src(%dma_wait3A_45 : memref<200x128xf32, #tpu.memory_space<vmem>>) dst(%dma_wait3A_42 : memref<200x128xf32, #tpu.memory_space<vmem_shared>>)
      tpu.yield
    }) : () -> ()
    %add3A_11 = arith.constant 400 : i32
    %add3A_12 = arith.addi %mul3A_7, %add3A_11 : i32
    "tpu.region"() ({
      %run_scoped3A = tpu.sem_alloc : memref<!tpu.dma_semaphore, #tpu.memory_space<semaphore_mem>>
      %dma_start3A = arith.constant 0 : i32
      %dma_start3A_28 = arith.constant 0 : i32
      %dma_start3A_29 = tpu.memref_slice %arg11[%dma_start3A, %dma_start3A_28] : memref<200x128xf32, #tpu.memory_space<vmem>> -> memref<200x128xf32, #tpu.memory_space<vmem>>
      %dma_start3A_30 = arith.constant 0 : i32
      %dma_start3A_31 = tpu.memref_slice %arg7[%add3A_12, %dma_start3A_30] : memref<10240x128xf32, #tpu.memory_space<vmem_shared>> -> memref<200x128xf32, #tpu.memory_space<vmem_shared>>
      %dma_start3A_32 = arith.constant 0 : i32
      %dma_start3A_33 = tpu.memref_slice %arg7[%add3A_12, %dma_start3A_32] : memref<10240x128xf32, #tpu.memory_space<vmem_shared>> -> memref<200x128xf32, #tpu.memory_space<vmem_shared>>
      %dma_start3A_34 = arith.constant 0 : i32
      %dma_start3A_35 = arith.constant 0 : i32
      %dma_start3A_36 = tpu.memref_slice %arg11[%dma_start3A_34, %dma_start3A_35] : memref<200x128xf32, #tpu.memory_space<vmem>> -> memref<200x128xf32, #tpu.memory_space<vmem>>
      tpu.enqueue_dma source(%dma_start3A_36 : memref<200x128xf32, #tpu.memory_space<vmem>>) target(%dma_start3A_33 : memref<200x128xf32, #tpu.memory_space<vmem_shared>>) target_semaphore(%run_scoped3A : memref<!tpu.dma_semaphore, #tpu.memory_space<semaphore_mem>>)
      %dma_wait3A = arith.constant 0 : i32
      %dma_wait3A_37 = arith.constant 0 : i32
      %dma_wait3A_38 = tpu.memref_slice %arg11[%dma_wait3A, %dma_wait3A_37] : memref<200x128xf32, #tpu.memory_space<vmem>> -> memref<200x128xf32, #tpu.memory_space<vmem>>
      %dma_wait3A_39 = arith.constant 0 : i32
      %dma_wait3A_40 = tpu.memref_slice %arg7[%add3A_12, %dma_wait3A_39] : memref<10240x128xf32, #tpu.memory_space<vmem_shared>> -> memref<200x128xf32, #tpu.memory_space<vmem_shared>>
      %dma_wait3A_41 = arith.constant 0 : i32
      %dma_wait3A_42 = tpu.memref_slice %arg7[%add3A_12, %dma_wait3A_41] : memref<10240x128xf32, #tpu.memory_space<vmem_shared>> -> memref<200x128xf32, #tpu.memory_space<vmem_shared>>
      %dma_wait3A_43 = arith.constant 0 : i32
      %dma_wait3A_44 = arith.constant 0 : i32
      %dma_wait3A_45 = tpu.memref_slice %arg11[%dma_wait3A_43, %dma_wait3A_44] : memref<200x128xf32, #tpu.memory_space<vmem>> -> memref<200x128xf32, #tpu.memory_space<vmem>>
      tpu.wait_dma2 semaphore(%run_scoped3A : memref<!tpu.dma_semaphore, #tpu.memory_space<semaphore_mem>>) src(%dma_wait3A_45 : memref<200x128xf32, #tpu.memory_space<vmem>>) dst(%dma_wait3A_42 : memref<200x128xf32, #tpu.memory_space<vmem_shared>>)
      tpu.yield
    }) : () -> ()
    %add3A_13 = arith.constant 600 : i32
    %add3A_14 = arith.addi %mul3A_7, %add3A_13 : i32
    "tpu.region"() ({
      %run_scoped3A = tpu.sem_alloc : memref<!tpu.dma_semaphore, #tpu.memory_space<semaphore_mem>>
      %dma_start3A = arith.constant 0 : i32
      %dma_start3A_28 = arith.constant 0 : i32
      %dma_start3A_29 = tpu.memref_slice %arg11[%dma_start3A, %dma_start3A_28] : memref<200x128xf32, #tpu.memory_space<vmem>> -> memref<40x128xf32, #tpu.memory_space<vmem>>
      %dma_start3A_30 = arith.constant 0 : i32
      %dma_start3A_31 = tpu.memref_slice %arg7[%add3A_14, %dma_start3A_30] : memref<10240x128xf32, #tpu.memory_space<vmem_shared>> -> memref<40x128xf32, #tpu.memory_space<vmem_shared>>
      %dma_start3A_32 = arith.constant 0 : i32
      %dma_start3A_33 = tpu.memref_slice %arg7[%add3A_14, %dma_start3A_32] : memref<10240x128xf32, #tpu.memory_space<vmem_shared>> -> memref<40x128xf32, #tpu.memory_space<vmem_shared>>
      %dma_start3A_34 = arith.constant 0 : i32
      %dma_start3A_35 = arith.constant 0 : i32
      %dma_start3A_36 = tpu.memref_slice %arg11[%dma_start3A_34, %dma_start3A_35] : memref<200x128xf32, #tpu.memory_space<vmem>> -> memref<40x128xf32, #tpu.memory_space<vmem>>
      tpu.enqueue_dma source(%dma_start3A_36 : memref<40x128xf32, #tpu.memory_space<vmem>>) target(%dma_start3A_33 : memref<40x128xf32, #tpu.memory_space<vmem_shared>>) target_semaphore(%run_scoped3A : memref<!tpu.dma_semaphore, #tpu.memory_space<semaphore_mem>>)
      %dma_wait3A = arith.constant 0 : i32
      %dma_wait3A_37 = arith.constant 0 : i32
      %dma_wait3A_38 = tpu.memref_slice %arg11[%dma_wait3A, %dma_wait3A_37] : memref<200x128xf32, #tpu.memory_space<vmem>> -> memref<40x128xf32, #tpu.memory_space<vmem>>
      %dma_wait3A_39 = arith.constant 0 : i32
      %dma_wait3A_40 = tpu.memref_slice %arg7[%add3A_14, %dma_wait3A_39] : memref<10240x128xf32, #tpu.memory_space<vmem_shared>> -> memref<40x128xf32, #tpu.memory_space<vmem_shared>>
      %dma_wait3A_41 = arith.constant 0 : i32
      %dma_wait3A_42 = tpu.memref_slice %arg7[%add3A_14, %dma_wait3A_41] : memref<10240x128xf32, #tpu.memory_space<vmem_shared>> -> memref<40x128xf32, #tpu.memory_space<vmem_shared>>
      %dma_wait3A_43 = arith.constant 0 : i32
      %dma_wait3A_44 = arith.constant 0 : i32
      %dma_wait3A_45 = tpu.memref_slice %arg11[%dma_wait3A_43, %dma_wait3A_44] : memref<200x128xf32, #tpu.memory_space<vmem>> -> memref<40x128xf32, #tpu.memory_space<vmem>>
      tpu.wait_dma2 semaphore(%run_scoped3A : memref<!tpu.dma_semaphore, #tpu.memory_space<semaphore_mem>>) src(%dma_wait3A_45 : memref<40x128xf32, #tpu.memory_space<vmem>>) dst(%dma_wait3A_42 : memref<40x128xf32, #tpu.memory_space<vmem_shared>>)
      tpu.yield
    }) : () -> ()
    %barrier3A = arith.constant 0 : index
    tpu.barrier barrier_id(%barrier3A)
    %mul3A_15 = arith.constant 16 : i32
    %mul3A_16 = arith.muli %arg0, %mul3A_15 : i32
    %add3A_17 = arith.addi %mul3A_16, %arg1 : i32
    %mul3A_18 = arith.constant 10000 : i32
    %mul3A_19 = arith.muli %add3A_17, %mul3A_18 : i32
    %scan3A_20 = arith.constant 0 : i32
    %scan3A_21 = arith.constant 0 : i32
    %scan3A_22 = arith.constant 50 : i32
    %scan3A_23 = arith.addi %scan3A_21, %scan3A_22 : i32
    %scan3A_24 = arith.constant 1 : i32
    %scan3A_25 = scf.for %scan3A_28 = %scan3A_21 to %scan3A_23 step %scan3A_24 iter_args(%scan3A_29 = %scan3A_20) -> (i32)  : i32 {
      %mul3A_30 = arith.constant 200 : i32
      %mul3A_31 = arith.muli %scan3A_28, %mul3A_30 : i32
      %add3A_32 = arith.addi %mul3A_19, %mul3A_31 : i32
      "tpu.region"() ({
        %run_scoped3A = tpu.sem_alloc : memref<!tpu.dma_semaphore, #tpu.memory_space<semaphore_mem>>
        %dma_start3A_47 = tpu.memref_slice %arg3[%add3A_32] : memref<320000xi32, #tpu.memory_space<hbm>> -> memref<200xi32, #tpu.memory_space<hbm>>
        %dma_start3A_48 = tpu.memref_slice %arg3[%add3A_32] : memref<320000xi32, #tpu.memory_space<hbm>> -> memref<200xi32, #tpu.memory_space<hbm>>
        tpu.enqueue_dma source(%dma_start3A_48 : memref<200xi32, #tpu.memory_space<hbm>>) target(%arg8 : memref<200xi32, #tpu.memory_space<vmem>>) target_semaphore(%run_scoped3A : memref<!tpu.dma_semaphore, #tpu.memory_space<semaphore_mem>>)
        %dma_wait3A_49 = tpu.memref_slice %arg3[%add3A_32] : memref<320000xi32, #tpu.memory_space<hbm>> -> memref<200xi32, #tpu.memory_space<hbm>>
        %dma_wait3A_50 = tpu.memref_slice %arg3[%add3A_32] : memref<320000xi32, #tpu.memory_space<hbm>> -> memref<200xi32, #tpu.memory_space<hbm>>
        tpu.wait_dma2 semaphore(%run_scoped3A : memref<!tpu.dma_semaphore, #tpu.memory_space<semaphore_mem>>) src(%dma_wait3A_50 : memref<200xi32, #tpu.memory_space<hbm>>) dst(%arg8 : memref<200xi32, #tpu.memory_space<vmem>>)
        tpu.yield
      }) : () -> ()
      "tpu.region"() ({
        %run_scoped3A = tpu.sem_alloc : memref<!tpu.dma_semaphore, #tpu.memory_space<semaphore_mem>>
        %dma_start3A_47 = tpu.memref_slice %arg4[%add3A_32] : memref<320000xi32, #tpu.memory_space<hbm>> -> memref<200xi32, #tpu.memory_space<hbm>>
        %dma_start3A_48 = tpu.memref_slice %arg4[%add3A_32] : memref<320000xi32, #tpu.memory_space<hbm>> -> memref<200xi32, #tpu.memory_space<hbm>>
        tpu.enqueue_dma source(%dma_start3A_48 : memref<200xi32, #tpu.memory_space<hbm>>) target(%arg9 : memref<200xi32, #tpu.memory_space<vmem>>) target_semaphore(%run_scoped3A : memref<!tpu.dma_semaphore, #tpu.memory_space<semaphore_mem>>)
        %dma_wait3A_49 = tpu.memref_slice %arg4[%add3A_32] : memref<320000xi32, #tpu.memory_space<hbm>> -> memref<200xi32, #tpu.memory_space<hbm>>
        %dma_wait3A_50 = tpu.memref_slice %arg4[%add3A_32] : memref<320000xi32, #tpu.memory_space<hbm>> -> memref<200xi32, #tpu.memory_space<hbm>>
        tpu.wait_dma2 semaphore(%run_scoped3A : memref<!tpu.dma_semaphore, #tpu.memory_space<semaphore_mem>>) src(%dma_wait3A_50 : memref<200xi32, #tpu.memory_space<hbm>>) dst(%arg9 : memref<200xi32, #tpu.memory_space<vmem>>)
        tpu.yield
      }) : () -> ()
      %mul3A_33 = arith.constant 16 : i32
      %mul3A_34 = arith.muli %add3A_32, %mul3A_33 : i32
      "tpu.region"() ({
        %run_scoped3A = tpu.sem_alloc : memref<!tpu.dma_semaphore, #tpu.memory_space<semaphore_mem>>
        %dma_start3A_47 = tpu.memref_slice %arg5[%mul3A_34] : memref<5120000xf32, #tpu.memory_space<hbm>> -> memref<3200xf32, #tpu.memory_space<hbm>>
        %dma_start3A_48 = tpu.memref_slice %arg5[%mul3A_34] : memref<5120000xf32, #tpu.memory_space<hbm>> -> memref<3200xf32, #tpu.memory_space<hbm>>
        tpu.enqueue_dma source(%dma_start3A_48 : memref<3200xf32, #tpu.memory_space<hbm>>) target(%arg10 : memref<3200xf32, #tpu.memory_space<vmem>>) target_semaphore(%run_scoped3A : memref<!tpu.dma_semaphore, #tpu.memory_space<semaphore_mem>>)
        %dma_wait3A_49 = tpu.memref_slice %arg5[%mul3A_34] : memref<5120000xf32, #tpu.memory_space<hbm>> -> memref<3200xf32, #tpu.memory_space<hbm>>
        %dma_wait3A_50 = tpu.memref_slice %arg5[%mul3A_34] : memref<5120000xf32, #tpu.memory_space<hbm>> -> memref<3200xf32, #tpu.memory_space<hbm>>
        tpu.wait_dma2 semaphore(%run_scoped3A : memref<!tpu.dma_semaphore, #tpu.memory_space<semaphore_mem>>) src(%dma_wait3A_50 : memref<3200xf32, #tpu.memory_space<hbm>>) dst(%arg10 : memref<3200xf32, #tpu.memory_space<vmem>>)
        tpu.yield
      }) : () -> ()
      %dma_start3A = arith.constant 0 : i32
      %dma_start3A_35 = arith.constant 0 : i32
      %dma_start3A_36 = tpu.memref_slice %arg2[%dma_start3A, %dma_start3A_35] : memref<10000x128xf32, #tpu.memory_space<hbm>> -> memref<10000x128xf32, #tpu.memory_space<hbm>>
      tpu.enqueue_indirect_dma source(%dma_start3A_36 : memref<10000x128xf32, #tpu.memory_space<hbm>>) target(%arg11 : memref<200x128xf32, #tpu.memory_space<vmem>>) offsets(%arg8 : memref<200xi32, #tpu.memory_space<vmem>>) semaphore(%arg12 : memref<!tpu.dma_semaphore, #tpu.memory_space<semaphore_mem>>)
      %dma_wait3A = arith.constant 0 : i32
      %dma_wait3A_37 = arith.constant 0 : i32
      %dma_wait3A_38 = tpu.memref_slice %arg2[%dma_wait3A, %dma_wait3A_37] : memref<10000x128xf32, #tpu.memory_space<hbm>> -> memref<10000x128xf32, #tpu.memory_space<hbm>>
      tpu.wait_indirect_dma semaphore(%arg12 : memref<!tpu.dma_semaphore, #tpu.memory_space<semaphore_mem>>) src(%dma_wait3A_38 : memref<10000x128xf32, #tpu.memory_space<hbm>>) dst(%arg11 : memref<200x128xf32, #tpu.memory_space<vmem>>)
      %scan3A_39 = arith.constant 0 : i32
      %scan3A_40 = arith.constant 0 : i32
      %scan3A_41 = arith.constant 200 : i32
      %scan3A_42 = arith.addi %scan3A_40, %scan3A_41 : i32
      %scan3A_43 = arith.constant 1 : i32
      %scan3A_44 = scf.for %scan3A_47 = %scan3A_40 to %scan3A_42 step %scan3A_43 iter_args(%scan3A_48 = %scan3A_39) -> (i32)  : i32 {
        %mul3A_49 = arith.constant 16 : i32
        %mul3A_50 = arith.muli %scan3A_47, %mul3A_49 : i32
        %get3A = arith.index_cast %mul3A_50 : i32 to index
        %get3A_51 = tpu.vector_load %arg10[%get3A] {strides = array<i32>} : memref<3200xf32, #tpu.memory_space<vmem>>, vector<16xf32>,
        %get3A_52 = vector.shape_cast %get3A_51 : vector<16xf32> to vector<16xf32>
        %get3A_53 = arith.index_cast %scan3A_47 : i32 to index
        %get3A_54 = arith.constant 0 : index
        %get3A_55 = tpu.vector_load %arg11[%get3A_53, %get3A_54] {strides = array<i32>} : memref<200x128xf32, #tpu.memory_space<vmem>>, vector<1x16xf32>,
        %get3A_56 = vector.shape_cast %get3A_55 : vector<1x16xf32> to vector<16xf32>
        %mul3A_57 = arith.mulf %get3A_56, %get3A_52 : vector<16xf32>
        %swap3A = arith.index_cast %scan3A_47 : i32 to index
        %swap3A_58 = arith.constant 0 : index
        %swap3A_59 = tpu.vector_load %arg11[%swap3A, %swap3A_58] {strides = array<i32>} : memref<200x128xf32, #tpu.memory_space<vmem>>, vector<1x16xf32>,
        %swap3A_60 = vector.shape_cast %swap3A_59 : vector<1x16xf32> to vector<16xf32>
        %swap3A_61 = vector.shape_cast %mul3A_57 : vector<16xf32> to vector<1x16xf32>
        tpu.vector_store %arg11[%swap3A, %swap3A_58], %swap3A_61 {strides = array<i32>} : memref<200x128xf32, #tpu.memory_space<vmem>>, vector<1x16xf32>,
        %get3A_62 = arith.index_cast %scan3A_47 : i32 to index
        %get3A_63 = arith.constant 16 : index
        %get3A_64 = tpu.vector_load %arg11[%get3A_62, %get3A_63] {strides = array<i32>} : memref<200x128xf32, #tpu.memory_space<vmem>>, vector<1x16xf32>,
        %get3A_65 = vector.shape_cast %get3A_64 : vector<1x16xf32> to vector<16xf32>
        %mul3A_66 = arith.mulf %get3A_65, %get3A_52 : vector<16xf32>
        %swap3A_67 = arith.index_cast %scan3A_47 : i32 to index
        %swap3A_68 = arith.constant 16 : index
        %swap3A_69 = tpu.vector_load %arg11[%swap3A_67, %swap3A_68] {strides = array<i32>} : memref<200x128xf32, #tpu.memory_space<vmem>>, vector<1x16xf32>,
        %swap3A_70 = vector.shape_cast %swap3A_69 : vector<1x16xf32> to vector<16xf32>
        %swap3A_71 = vector.shape_cast %mul3A_66 : vector<16xf32> to vector<1x16xf32>
        tpu.vector_store %arg11[%swap3A_67, %swap3A_68], %swap3A_71 {strides = array<i32>} : memref<200x128xf32, #tpu.memory_space<vmem>>, vector<1x16xf32>,
        %get3A_72 = arith.index_cast %scan3A_47 : i32 to index
        %get3A_73 = arith.constant 32 : index
        %get3A_74 = tpu.vector_load %arg11[%get3A_72, %get3A_73] {strides = array<i32>} : memref<200x128xf32, #tpu.memory_space<vmem>>, vector<1x16xf32>,
        %get3A_75 = vector.shape_cast %get3A_74 : vector<1x16xf32> to vector<16xf32>
        %mul3A_76 = arith.mulf %get3A_75, %get3A_52 : vector<16xf32>
        %swap3A_77 = arith.index_cast %scan3A_47 : i32 to index
        %swap3A_78 = arith.constant 32 : index
        %swap3A_79 = tpu.vector_load %arg11[%swap3A_77, %swap3A_78] {strides = array<i32>} : memref<200x128xf32, #tpu.memory_space<vmem>>, vector<1x16xf32>,
        %swap3A_80 = vector.shape_cast %swap3A_79 : vector<1x16xf32> to vector<16xf32>
        %swap3A_81 = vector.shape_cast %mul3A_76 : vector<16xf32> to vector<1x16xf32>
        tpu.vector_store %arg11[%swap3A_77, %swap3A_78], %swap3A_81 {strides = array<i32>} : memref<200x128xf32, #tpu.memory_space<vmem>>, vector<1x16xf32>,
        %get3A_82 = arith.index_cast %scan3A_47 : i32 to index
        %get3A_83 = arith.constant 48 : index
        %get3A_84 = tpu.vector_load %arg11[%get3A_82, %get3A_83] {strides = array<i32>} : memref<200x128xf32, #tpu.memory_space<vmem>>, vector<1x16xf32>,
        %get3A_85 = vector.shape_cast %get3A_84 : vector<1x16xf32> to vector<16xf32>
        %mul3A_86 = arith.mulf %get3A_85, %get3A_52 : vector<16xf32>
        %swap3A_87 = arith.index_cast %scan3A_47 : i32 to index
        %swap3A_88 = arith.constant 48 : index
        %swap3A_89 = tpu.vector_load %arg11[%swap3A_87, %swap3A_88] {strides = array<i32>} : memref<200x128xf32, #tpu.memory_space<vmem>>, vector<1x16xf32>,
        %swap3A_90 = vector.shape_cast %swap3A_89 : vector<1x16xf32> to vector<16xf32>
        %swap3A_91 = vector.shape_cast %mul3A_86 : vector<16xf32> to vector<1x16xf32>
        tpu.vector_store %arg11[%swap3A_87, %swap3A_88], %swap3A_91 {strides = array<i32>} : memref<200x128xf32, #tpu.memory_space<vmem>>, vector<1x16xf32>,
        %get3A_92 = arith.index_cast %scan3A_47 : i32 to index
        %get3A_93 = arith.constant 64 : index
        %get3A_94 = tpu.vector_load %arg11[%get3A_92, %get3A_93] {strides = array<i32>} : memref<200x128xf32, #tpu.memory_space<vmem>>, vector<1x16xf32>,
        %get3A_95 = vector.shape_cast %get3A_94 : vector<1x16xf32> to vector<16xf32>
        %mul3A_96 = arith.mulf %get3A_95, %get3A_52 : vector<16xf32>
        %swap3A_97 = arith.index_cast %scan3A_47 : i32 to index
        %swap3A_98 = arith.constant 64 : index
        %swap3A_99 = tpu.vector_load %arg11[%swap3A_97, %swap3A_98] {strides = array<i32>} : memref<200x128xf32, #tpu.memory_space<vmem>>, vector<1x16xf32>,
        %swap3A_100 = vector.shape_cast %swap3A_99 : vector<1x16xf32> to vector<16xf32>
        %swap3A_101 = vector.shape_cast %mul3A_96 : vector<16xf32> to vector<1x16xf32>
        tpu.vector_store %arg11[%swap3A_97, %swap3A_98], %swap3A_101 {strides = array<i32>} : memref<200x128xf32, #tpu.memory_space<vmem>>, vector<1x16xf32>,
        %get3A_102 = arith.index_cast %scan3A_47 : i32 to index
        %get3A_103 = arith.constant 80 : index
        %get3A_104 = tpu.vector_load %arg11[%get3A_102, %get3A_103] {strides = array<i32>} : memref<200x128xf32, #tpu.memory_space<vmem>>, vector<1x16xf32>,
        %get3A_105 = vector.shape_cast %get3A_104 : vector<1x16xf32> to vector<16xf32>
        %mul3A_106 = arith.mulf %get3A_105, %get3A_52 : vector<16xf32>
        %swap3A_107 = arith.index_cast %scan3A_47 : i32 to index
        %swap3A_108 = arith.constant 80 : index
        %swap3A_109 = tpu.vector_load %arg11[%swap3A_107, %swap3A_108] {strides = array<i32>} : memref<200x128xf32, #tpu.memory_space<vmem>>, vector<1x16xf32>,
        %swap3A_110 = vector.shape_cast %swap3A_109 : vector<1x16xf32> to vector<16xf32>
        %swap3A_111 = vector.shape_cast %mul3A_106 : vector<16xf32> to vector<1x16xf32>
        tpu.vector_store %arg11[%swap3A_107, %swap3A_108], %swap3A_111 {strides = array<i32>} : memref<200x128xf32, #tpu.memory_space<vmem>>, vector<1x16xf32>,
        %get3A_112 = arith.index_cast %scan3A_47 : i32 to index
        %get3A_113 = arith.constant 96 : index
        %get3A_114 = tpu.vector_load %arg11[%get3A_112, %get3A_113] {strides = array<i32>} : memref<200x128xf32, #tpu.memory_space<vmem>>, vector<1x16xf32>,
        %get3A_115 = vector.shape_cast %get3A_114 : vector<1x16xf32> to vector<16xf32>
        %mul3A_116 = arith.mulf %get3A_115, %get3A_52 : vector<16xf32>
        %swap3A_117 = arith.index_cast %scan3A_47 : i32 to index
        %swap3A_118 = arith.constant 96 : index
        %swap3A_119 = tpu.vector_load %arg11[%swap3A_117, %swap3A_118] {strides = array<i32>} : memref<200x128xf32, #tpu.memory_space<vmem>>, vector<1x16xf32>,
        %swap3A_120 = vector.shape_cast %swap3A_119 : vector<1x16xf32> to vector<16xf32>
        %swap3A_121 = vector.shape_cast %mul3A_116 : vector<16xf32> to vector<1x16xf32>
        tpu.vector_store %arg11[%swap3A_117, %swap3A_118], %swap3A_121 {strides = array<i32>} : memref<200x128xf32, #tpu.memory_space<vmem>>, vector<1x16xf32>,
        %get3A_122 = arith.index_cast %scan3A_47 : i32 to index
        %get3A_123 = arith.constant 112 : index
        %get3A_124 = tpu.vector_load %arg11[%get3A_122, %get3A_123] {strides = array<i32>} : memref<200x128xf32, #tpu.memory_space<vmem>>, vector<1x16xf32>,
        %get3A_125 = vector.shape_cast %get3A_124 : vector<1x16xf32> to vector<16xf32>
        %mul3A_126 = arith.mulf %get3A_125, %get3A_52 : vector<16xf32>
        %swap3A_127 = arith.index_cast %scan3A_47 : i32 to index
        %swap3A_128 = arith.constant 112 : index
        %swap3A_129 = tpu.vector_load %arg11[%swap3A_127, %swap3A_128] {strides = array<i32>} : memref<200x128xf32, #tpu.memory_space<vmem>>, vector<1x16xf32>,
        %swap3A_130 = vector.shape_cast %swap3A_129 : vector<1x16xf32> to vector<16xf32>
        %swap3A_131 = vector.shape_cast %mul3A_126 : vector<16xf32> to vector<1x16xf32>
        tpu.vector_store %arg11[%swap3A_127, %swap3A_128], %swap3A_131 {strides = array<i32>} : memref<200x128xf32, #tpu.memory_space<vmem>>, vector<1x16xf32>,
        %scan3A_132 = arith.constant 0 : i32
        scf.yield %scan3A_132 : i32
      }
      %scan3A_45 = arith.constant 200 : i32
      "tpu.region"() ({
        %run_scoped3A = tpu.sem_alloc : memref<!tpu.dma_semaphore, #tpu.memory_space<semaphore_mem>>
        %dma_start3A_47 = arith.constant 0 : i32
        %dma_start3A_48 = arith.constant 0 : i32
        %dma_start3A_49 = tpu.memref_slice %arg7[%dma_start3A_47, %dma_start3A_48] : memref<10240x128xf32, #tpu.memory_space<vmem_shared>> -> memref<10240x128xf32, #tpu.memory_space<vmem_shared>>
        tpu.enqueue_indirect_dma source(%arg11 : memref<200x128xf32, #tpu.memory_space<vmem>>) target(%dma_start3A_49 : memref<10240x128xf32, #tpu.memory_space<vmem_shared>>) offsets(%arg9 : memref<200xi32, #tpu.memory_space<vmem>>) semaphore(%run_scoped3A : memref<!tpu.dma_semaphore, #tpu.memory_space<semaphore_mem>>) {add = true}
        %dma_wait3A_50 = arith.constant 0 : i32
        %dma_wait3A_51 = arith.constant 0 : i32
        %dma_wait3A_52 = tpu.memref_slice %arg7[%dma_wait3A_50, %dma_wait3A_51] : memref<10240x128xf32, #tpu.memory_space<vmem_shared>> -> memref<10240x128xf32, #tpu.memory_space<vmem_shared>>
        tpu.wait_indirect_dma semaphore(%run_scoped3A : memref<!tpu.dma_semaphore, #tpu.memory_space<semaphore_mem>>) src(%arg11 : memref<200x128xf32, #tpu.memory_space<vmem>>) dst(%dma_wait3A_52 : memref<10240x128xf32, #tpu.memory_space<vmem_shared>>)
        tpu.yield
      }) : () -> ()
      %scan3A_46 = arith.constant 0 : i32
      scf.yield %scan3A_46 : i32
    }
    %scan3A_26 = arith.constant 50 : i32
    %barrier3A_27 = arith.constant 0 : index
    tpu.barrier barrier_id(%barrier3A_27)
    "tpu.region"() ({
      %run_scoped3A = tpu.sem_alloc : memref<!tpu.dma_semaphore, #tpu.memory_space<semaphore_mem>>
      %dma_start3A = arith.constant 0 : i32
      %dma_start3A_28 = tpu.memref_slice %arg6[%arg0, %mul3A_7, %dma_start3A] : memref<2x10240x128xf32, #tpu.memory_space<hbm>> -> memref<1x640x128xf32, #tpu.memory_space<hbm>>
      %dma_start3A_29 = tpu.memref_squeeze %dma_start3A_28 : memref<1x640x128xf32, #tpu.memory_space<hbm>> -> memref<640x128xf32, #tpu.memory_space<hbm>>
      %dma_start3A_30 = arith.constant 0 : i32
      %dma_start3A_31 = tpu.memref_slice %arg7[%mul3A_7, %dma_start3A_30] : memref<10240x128xf32, #tpu.memory_space<vmem_shared>> -> memref<640x128xf32, #tpu.memory_space<vmem_shared>>
      tpu.enqueue_dma source(%dma_start3A_31 : memref<640x128xf32, #tpu.memory_space<vmem_shared>>) target(%dma_start3A_29 : memref<640x128xf32, #tpu.memory_space<hbm>>) target_semaphore(%run_scoped3A : memref<!tpu.dma_semaphore, #tpu.memory_space<semaphore_mem>>)
      %dma_wait3A = arith.constant 0 : i32
      %dma_wait3A_32 = tpu.memref_slice %arg6[%arg0, %mul3A_7, %dma_wait3A] : memref<2x10240x128xf32, #tpu.memory_space<hbm>> -> memref<1x640x128xf32, #tpu.memory_space<hbm>>
      %dma_wait3A_33 = tpu.memref_squeeze %dma_wait3A_32 : memref<1x640x128xf32, #tpu.memory_space<hbm>> -> memref<640x128xf32, #tpu.memory_space<hbm>>
      %dma_wait3A_34 = arith.constant 0 : i32
      %dma_wait3A_35 = tpu.memref_slice %arg7[%mul3A_7, %dma_wait3A_34] : memref<10240x128xf32, #tpu.memory_space<vmem_shared>> -> memref<640x128xf32, #tpu.memory_space<vmem_shared>>
      tpu.wait_dma2 semaphore(%run_scoped3A : memref<!tpu.dma_semaphore, #tpu.memory_space<semaphore_mem>>) src(%dma_wait3A_35 : memref<640x128xf32, #tpu.memory_space<vmem_shared>>) dst(%dma_wait3A_33 : memref<640x128xf32, #tpu.memory_space<hbm>>)
      tpu.yield
    }) : () -> ()
    return
  }
}

module attributes {stable_mosaic.version = 14 : i64} {
  func.func @_mlp_body(%arg0: memref<10000x128xf32, #tpu.memory_space<vmem>>, %arg1: memref<2x10240x128xf32, #tpu.memory_space<vmem>>, %arg2: memref<1x1xf32, #tpu.memory_space<vmem>>, %arg3: memref<128x128xf32, #tpu.memory_space<vmem>>, %arg4: memref<1x128xf32, #tpu.memory_space<vmem>>, %arg5: memref<1x128xf32, #tpu.memory_space<vmem>>, %arg6: memref<1x128xf32, #tpu.memory_space<vmem>>, %arg7: memref<128x128xf32, #tpu.memory_space<vmem>>, %arg8: memref<1x128xf32, #tpu.memory_space<vmem>>, %arg9: memref<1x128xf32, #tpu.memory_space<vmem>>, %arg10: memref<1x128xf32, #tpu.memory_space<vmem>>, %arg11: memref<10000x128xf32, #tpu.memory_space<vmem>>) attributes {dimension_semantics = [], scalar_prefetch = 0 : i64, scratch_operands = 0 : i64, tpu.core_type = #tpu.core_type<tc>} {
    %get3A = arith.constant 0 : index
    %get3A_0 = arith.constant 0 : index
    %get3A_1 = vector.load %arg2[%get3A, %get3A_0] : memref<1x1xf32, #tpu.memory_space<vmem>>, vector<1x1xf32>
    %get3A_2 = vector.extract %get3A_1[0, 0] : f32 from vector<1x1xf32>
    %get3A_3 = arith.constant 0 : index
    %get3A_4 = arith.constant 0 : index
    %get3A_5 = arith.constant 0 : index
    %get3A_6 = vector.load %arg1[%get3A_3, %get3A_4, %get3A_5] : memref<2x10240x128xf32, #tpu.memory_space<vmem>>, vector<2x10240x128xf32>
    %get3A_7 = arith.constant 0 : index
    %get3A_8 = arith.constant 0 : index
    %get3A_9 = vector.load %arg0[%get3A_7, %get3A_8] : memref<10000x128xf32, #tpu.memory_space<vmem>>, vector<10000x128xf32>
    %add3A = arith.constant 1.000000e+00 : f32
    %add3A_10 = arith.addf %add3A, %get3A_2 : f32
    %mul3A = vector.broadcast %add3A_10 : f32 to vector<10000x128xf32>
    %mul3A_11 = arith.mulf %get3A_9, %mul3A : vector<10000x128xf32>
    %slice3A = vector.extract_strided_slice %get3A_6 {offsets = [0, 0, 0], sizes = [1, 10000, 128], strides = [1, 1, 1]} : vector<2x10240x128xf32> to vector<1x10000x128xf32>
    %squeeze3A = vector.shape_cast %slice3A : vector<1x10000x128xf32> to vector<10000x128xf32>
    %add3A_12 = arith.addf %mul3A_11, %squeeze3A : vector<10000x128xf32>
    %slice3A_13 = vector.extract_strided_slice %get3A_6 {offsets = [1, 0, 0], sizes = [1, 10000, 128], strides = [1, 1, 1]} : vector<2x10240x128xf32> to vector<1x10000x128xf32>
    %squeeze3A_14 = vector.shape_cast %slice3A_13 : vector<1x10000x128xf32> to vector<10000x128xf32>
    %add3A_15 = arith.addf %add3A_12, %squeeze3A_14 : vector<10000x128xf32>
    %get3A_16 = arith.constant 0 : index
    %get3A_17 = arith.constant 0 : index
    %get3A_18 = vector.load %arg3[%get3A_16, %get3A_17] : memref<128x128xf32, #tpu.memory_space<vmem>>, vector<128x128xf32>
    %dot_general3A = arith.constant dense<0.000000e+00> : vector<10000x128xf32>
    %dot_general3A_19 = tpu.matmul %add3A_15, %get3A_18, %dot_general3A {dimension_numbers = #tpu.dot_dimension_numbers<[1], [0], [0], [1], [0, 0, 1, 1], [], []>, transpose_lhs_hint = false} : vector<10000x128xf32>, vector<128x128xf32>, vector<10000x128xf32> -> vector<10000x128xf32>
    %get3A_20 = arith.constant 0 : index
    %get3A_21 = arith.constant 0 : index
    %get3A_22 = vector.load %arg4[%get3A_20, %get3A_21] : memref<1x128xf32, #tpu.memory_space<vmem>>, vector<1x128xf32>
    %add3A_23 = vector.broadcast %get3A_22 : vector<1x128xf32> to vector<10000x128xf32>
    %add3A_24 = arith.addf %dot_general3A_19, %add3A_23 : vector<10000x128xf32>
    %reduce_sum3A = arith.constant dense<0.000000e+00> : vector<128xf32>
    %reduce_sum3A_25 = vector.multi_reduction <add>, %add3A_24, %reduce_sum3A [0] : vector<10000x128xf32> to vector<128xf32>
    %broadcast_in_dim3A = vector.shape_cast %reduce_sum3A_25 : vector<128xf32> to vector<1x128xf32>
    %div3A = arith.constant 1.000000e+04 : f32
    %div3A_26 = vector.broadcast %div3A : f32 to vector<1x128xf32>
    %div3A_27 = arith.divf %broadcast_in_dim3A, %div3A_26 : vector<1x128xf32>
    %sub3A = vector.broadcast %div3A_27 : vector<1x128xf32> to vector<10000x128xf32>
    %sub3A_28 = arith.subf %add3A_24, %sub3A : vector<10000x128xf32>
    %integer_pow3A = arith.mulf %sub3A_28, %sub3A_28 : vector<10000x128xf32>
    %reduce_sum3A_29 = arith.constant dense<0.000000e+00> : vector<128xf32>
    %reduce_sum3A_30 = vector.multi_reduction <add>, %integer_pow3A, %reduce_sum3A_29 [0] : vector<10000x128xf32> to vector<128xf32>
    %broadcast_in_dim3A_31 = vector.shape_cast %reduce_sum3A_30 : vector<128xf32> to vector<1x128xf32>
    %div3A_32 = arith.constant 1.000000e+04 : f32
    %div3A_33 = vector.broadcast %div3A_32 : f32 to vector<1x128xf32>
    %div3A_34 = arith.divf %broadcast_in_dim3A_31, %div3A_33 : vector<1x128xf32>
    %sub3A_35 = vector.broadcast %div3A_27 : vector<1x128xf32> to vector<10000x128xf32>
    %sub3A_36 = arith.subf %add3A_24, %sub3A_35 : vector<10000x128xf32>
    %add3A_37 = arith.constant 9.99999974E-6 : f32
    %add3A_38 = vector.broadcast %add3A_37 : f32 to vector<1x128xf32>
    %add3A_39 = arith.addf %div3A_34, %add3A_38 : vector<1x128xf32>
    %rsqrt3A = math.rsqrt %add3A_39 : vector<1x128xf32>
    %mul3A_40 = vector.broadcast %rsqrt3A : vector<1x128xf32> to vector<10000x128xf32>
    %mul3A_41 = arith.mulf %sub3A_36, %mul3A_40 : vector<10000x128xf32>
    %get3A_42 = arith.constant 0 : index
    %get3A_43 = arith.constant 0 : index
    %get3A_44 = vector.load %arg5[%get3A_42, %get3A_43] : memref<1x128xf32, #tpu.memory_space<vmem>>, vector<1x128xf32>
    %mul3A_45 = vector.broadcast %get3A_44 : vector<1x128xf32> to vector<10000x128xf32>
    %mul3A_46 = arith.mulf %mul3A_41, %mul3A_45 : vector<10000x128xf32>
    %get3A_47 = arith.constant 0 : index
    %get3A_48 = arith.constant 0 : index
    %get3A_49 = vector.load %arg6[%get3A_47, %get3A_48] : memref<1x128xf32, #tpu.memory_space<vmem>>, vector<1x128xf32>
    %add3A_50 = vector.broadcast %get3A_49 : vector<1x128xf32> to vector<10000x128xf32>
    %add3A_51 = arith.addf %mul3A_46, %add3A_50 : vector<10000x128xf32>
    %max3A = arith.constant 0.000000e+00 : f32
    %max3A_52 = vector.broadcast %max3A : f32 to vector<10000x128xf32>
    %max3A_53 = arith.maximumf %add3A_51, %max3A_52 : vector<10000x128xf32>
    %get3A_54 = arith.constant 0 : index
    %get3A_55 = arith.constant 0 : index
    %get3A_56 = vector.load %arg7[%get3A_54, %get3A_55] : memref<128x128xf32, #tpu.memory_space<vmem>>, vector<128x128xf32>
    %dot_general3A_57 = arith.constant dense<0.000000e+00> : vector<10000x128xf32>
    %dot_general3A_58 = tpu.matmul %max3A_53, %get3A_56, %dot_general3A_57 {dimension_numbers = #tpu.dot_dimension_numbers<[1], [0], [0], [1], [0, 0, 1, 1], [], []>, transpose_lhs_hint = false} : vector<10000x128xf32>, vector<128x128xf32>, vector<10000x128xf32> -> vector<10000x128xf32>
    %get3A_59 = arith.constant 0 : index
    %get3A_60 = arith.constant 0 : index
    %get3A_61 = vector.load %arg8[%get3A_59, %get3A_60] : memref<1x128xf32, #tpu.memory_space<vmem>>, vector<1x128xf32>
    %add3A_62 = vector.broadcast %get3A_61 : vector<1x128xf32> to vector<10000x128xf32>
    %add3A_63 = arith.addf %dot_general3A_58, %add3A_62 : vector<10000x128xf32>
    %reduce_sum3A_64 = arith.constant dense<0.000000e+00> : vector<128xf32>
    %reduce_sum3A_65 = vector.multi_reduction <add>, %add3A_63, %reduce_sum3A_64 [0] : vector<10000x128xf32> to vector<128xf32>
    %broadcast_in_dim3A_66 = vector.shape_cast %reduce_sum3A_65 : vector<128xf32> to vector<1x128xf32>
    %div3A_67 = arith.constant 1.000000e+04 : f32
    %div3A_68 = vector.broadcast %div3A_67 : f32 to vector<1x128xf32>
    %div3A_69 = arith.divf %broadcast_in_dim3A_66, %div3A_68 : vector<1x128xf32>
    %sub3A_70 = vector.broadcast %div3A_69 : vector<1x128xf32> to vector<10000x128xf32>
    %sub3A_71 = arith.subf %add3A_63, %sub3A_70 : vector<10000x128xf32>
    %integer_pow3A_72 = arith.mulf %sub3A_71, %sub3A_71 : vector<10000x128xf32>
    %reduce_sum3A_73 = arith.constant dense<0.000000e+00> : vector<128xf32>
    %reduce_sum3A_74 = vector.multi_reduction <add>, %integer_pow3A_72, %reduce_sum3A_73 [0] : vector<10000x128xf32> to vector<128xf32>
    %broadcast_in_dim3A_75 = vector.shape_cast %reduce_sum3A_74 : vector<128xf32> to vector<1x128xf32>
    %div3A_76 = arith.constant 1.000000e+04 : f32
    %div3A_77 = vector.broadcast %div3A_76 : f32 to vector<1x128xf32>
    %div3A_78 = arith.divf %broadcast_in_dim3A_75, %div3A_77 : vector<1x128xf32>
    %sub3A_79 = vector.broadcast %div3A_69 : vector<1x128xf32> to vector<10000x128xf32>
    %sub3A_80 = arith.subf %add3A_63, %sub3A_79 : vector<10000x128xf32>
    %add3A_81 = arith.constant 9.99999974E-6 : f32
    %add3A_82 = vector.broadcast %add3A_81 : f32 to vector<1x128xf32>
    %add3A_83 = arith.addf %div3A_78, %add3A_82 : vector<1x128xf32>
    %rsqrt3A_84 = math.rsqrt %add3A_83 : vector<1x128xf32>
    %mul3A_85 = vector.broadcast %rsqrt3A_84 : vector<1x128xf32> to vector<10000x128xf32>
    %mul3A_86 = arith.mulf %sub3A_80, %mul3A_85 : vector<10000x128xf32>
    %get3A_87 = arith.constant 0 : index
    %get3A_88 = arith.constant 0 : index
    %get3A_89 = vector.load %arg9[%get3A_87, %get3A_88] : memref<1x128xf32, #tpu.memory_space<vmem>>, vector<1x128xf32>
    %mul3A_90 = vector.broadcast %get3A_89 : vector<1x128xf32> to vector<10000x128xf32>
    %mul3A_91 = arith.mulf %mul3A_86, %mul3A_90 : vector<10000x128xf32>
    %get3A_92 = arith.constant 0 : index
    %get3A_93 = arith.constant 0 : index
    %get3A_94 = vector.load %arg10[%get3A_92, %get3A_93] : memref<1x128xf32, #tpu.memory_space<vmem>>, vector<1x128xf32>
    %add3A_95 = vector.broadcast %get3A_94 : vector<1x128xf32> to vector<10000x128xf32>
    %add3A_96 = arith.addf %mul3A_91, %add3A_95 : vector<10000x128xf32>
    %max3A_97 = arith.constant 0.000000e+00 : f32
    %max3A_98 = vector.broadcast %max3A_97 : f32 to vector<10000x128xf32>
    %max3A_99 = arith.maximumf %add3A_96, %max3A_98 : vector<10000x128xf32>
    %swap3A = arith.constant 0 : index
    %swap3A_100 = arith.constant 0 : index
    %swap3A_101 = vector.load %arg11[%swap3A, %swap3A_100] : memref<10000x128xf32, #tpu.memory_space<vmem>>, vector<10000x128xf32>
    tpu.vector_store %arg11[%swap3A, %swap3A_100], %max3A_99 {strides = array<i32>} : memref<10000x128xf32, #tpu.memory_space<vmem>>, vector<10000x128xf32>,
    return
  }
}

</mosaic_0001>

<sc_bundles>
// kernel: kernel.10.cloned.1.call-start
scs
__scs_entry_jumppad:
0x0: {  	(pc) =	sbr.rel $0x88, $3  }
0x1: {  	(tag) =	ssettag $0x0;
	lr =	simm.s32 $0x1  }
0x2: {  	[smem:$0x3F8B] =	sst lr;
	_ =	strace $0xD0000000  }
0x3: {  	_ = 	snop  }
0x4: {  	_ = 	snop  }
0x5: {  	_ = 	snop  }
0x6: {  	_ = 	snop  }
0x7: {  	_ = 	snop  }
__scs_overlays_trampoline_lowered:
0x8: {  	[smem:$0x3F9A] =	sst s0  }
0x9: {  	[smem:$0x3F9B] =	sst s1  }
0xa: {  	[smem:$0x3F9C] =	sst s2  }
0xb: {  	[smem:$0x3F9D] =	sst s3  }
0xc: {  	[smem:$0x3F9E] =	sst s4  }
0xd: {  	[smem:$0x3F9F] =	sst s5  }
0xe: {  	[smem:$0x3FA0] =	sst s6  }
0xf: {  	[smem:$0x3FA1] =	sst s7  }
0x10: {  	[smem:$0x3FA2] =	sst s8  }
0x11: {  	[smem:$0x3FA3] =	sst s9;
	s0 =	simm.s32 @!p0 $0x0  }
0x12: {  	s1 =	sld [smem:$0x3F89];
	s0 =	simm.s32 @p0 $0x1  }
0x13: {  	[smem:$0x3FA4] =	sst s0;
	s0 =	simm.s32 @!p1 $0x0  }
0x14: {  	s2 =	sld [smem:$0x3F88];
	s0 =	simm.s32 @p1 $0x1  }
0x15: {  	[smem:$0x3FA5] =	sst s0;
	s0 =	simm.s32 @!p2 $0x0  }
0x16: {  	s3 =	sld [smem:$0x3FDB];
	s0 =	simm.s32 @p2 $0x1  }
0x17: {  	s4 =	simm.s32 $0x1BF5;
	[smem:$0x3FA7] =	sst s0  }
0x18: {  	s0 =	sld [smem:$0x3F8A];
	_ =	swait.ge [sflag:s4], $0x0  }
0x19: {  	s7 =	sld [smem:$0x3F8B]  }
0x1a: {  	s8 =	sadd.s32 $0xFFFFE003, lr  }
0x1b: {  	s9 =	sadd.s32 $0xFFFFFEF7, lr;
	s5 =	simm.s32 $0xFFFFFFFF;
	p2 =	slt.u32 s8, $0xFFFFF086  }
0x1c: {  	p1 =	slt.u32 s9, $0xF7A;
	s5 =	simm.s32 @!p2 $0x0  }
0x1d: {  	s5 =	simm.s32 @p1 $0x1;
	p0 =	seq.s32 s7, s2  }
0x1e: {  	s7 =	smul.u32 @!p0 $0xF7A, s2;
	p2 =	seq.s32 @!p0 s5, $0x0  }
0x1f: {  	s9 =	smul.u32 $0xF7A, s1;
	s8 =	simm.s32 @!p0 $0x1BF5;
	p2 =	por !p2, p0  }
0x20: {  	[sflag:s8] =	ssyncset.s32 @!p0 $0xFFFFF086;
	s6 =	sadd.s32 @!p0 s3, s7;
	s7 =	simm.s32 @!p0 $0x108  }
0x21: {  	s3 =	sadd.s32 s3, s9;
	s6 =	sadd.s32 @!p0 $0x88, s6;
	s7 =	simm.s32 @p2 $0x1082  }
0x22: {  	[simem:s7], [sflag:s8] =	dma.local @!p0 [hbm:s6], $0xF7A  }
0x23: {  	s9 =	sor.u32 $0xD0000000, s2;
	s6 =	simm.s32 $0x108;
	_ =	swait.ge @!p0 [sflag:s8], $0x0  }
0x24: {  	s3 =	sadd.s32 $0x88, s3;
	s6 =	simm.s32 @!p1 $0x1082;
	[sflag:s4] =	ssyncset.s32 $0xFFFFF086  }
0x25: {  	[simem:s6], [sflag:s4] =	dma.local [hbm:s3], $0xF7A  }
0x26: {  	[smem:$0x3F8B] =	sst s1;
	(tag) =	ssettag s2;
	_ =	strace s9  }
0x27: {  	s1 =	sld [smem:$0x3F9B]  }
0x28: {  	s2 =	sld [smem:$0x3F9C]  }
0x29: {  	s4 =	sld [smem:$0x3F9E]  }
0x2a: {  	p0 =	seq.s32 s5, $0x0;
	s5 =	sld [smem:$0x3F9F]  }
0x2b: {  	s6 =	sld [smem:$0x3FA0]  }
0x2c: {  	s7 =	sld [smem:$0x3FA1]  }
0x2d: {  	s3 =	simm.s32 $0x108;
	s8 =	sld [smem:$0x3FA2]  }
0x2e: {  	s3 =	simm.s32 @!p0 $0x1082;
	s9 =	sld [smem:$0x3FA3]  }
0x2f: {  	lr =	sadd.s32 s0, s3;
	s0 =	sld [smem:$0x3F9A]  }
0x30: {  	s3 =	sld [smem:$0x3F9D]  }
0x31: {  	[smem:$0x3FA6] =	sst s10  }
0x32: {  	s10 =	sld [smem:$0x3FA4];
	_ =	sdelay $0x3  }
0x33: {  	p0 =	seq.s32 s10, $0x1;
	s10 =	sld [smem:$0x3FA6];
	_ =	sdelay $0x3  }
0x34: {  	[smem:$0x3FA6] =	sst s10  }
0x35: {  	s10 =	sld [smem:$0x3FA5];
	_ =	sdelay $0x3  }
0x36: {  	p1 =	seq.s32 s10, $0x1;
	s10 =	sld [smem:$0x3FA6];
	_ =	sdelay $0x3  }
0x37: {  	[smem:$0x3FA6] =	sst s10  }
0x38: {  	s10 =	sld [smem:$0x3FA7]  }
0x39: {  	_ = 	snop;
	(pc) =	sbr.ind lr, $3  }
0x3a: {  	_ = 	snop  }
0x3b: {  	_ = 	snop  }
0x3c: {  	p2 =	seq.s32 s10, $0x1;
	s10 =	sld [smem:$0x3FA6]  }
0x3d: {  	_ =	shalt  }
0x3e: {  	_ =	shalt  }
0x3f: {  	_ =	shalt  }
0x40: {  	_ =	shalt  }
0x41: {  	_ =	shalt  }
0x42: {  	_ =	shalt  }
0x43: {  	_ =	shalt  }
0x44: {  	_ =	shalt  }
0x45: {  	_ =	shalt  }
0x46: {  	_ =	shalt  }
0x47: {  	_ =	shalt  }
0x48: {  	_ =	shalt  }
0x49: {  	_ =	shalt  }
0x4a: {  	_ =	shalt  }
0x4b: {  	_ =	shalt  }
0x4c: {  	_ =	shalt  }
0x4d: {  	_ =	shalt  }
0x4e: {  	_ =	shalt  }
0x4f: {  	_ =	shalt  }
0x50: {  	_ =	shalt  }
0x51: {  	_ =	shalt  }
0x52: {  	_ =	shalt  }
0x53: {  	_ =	shalt  }
0x54: {  	_ =	shalt  }
0x55: {  	_ =	shalt  }
0x56: {  	_ =	shalt  }
0x57: {  	_ =	shalt  }
0x58: {  	_ =	shalt  }
0x59: {  	_ =	shalt  }
0x5a: {  	_ =	shalt  }
0x5b: {  	_ =	shalt  }
0x5c: {  	_ =	shalt  }
0x5d: {  	_ =	shalt  }
0x5e: {  	_ =	shalt  }
0x5f: {  	_ =	shalt  }
0x60: {  	_ =	shalt  }
0x61: {  	_ =	shalt  }
0x62: {  	_ =	shalt  }
0x63: {  	_ =	shalt  }
0x64: {  	_ =	shalt  }
0x65: {  	_ =	shalt  }
0x66: {  	_ =	shalt  }
0x67: {  	_ =	shalt  }
0x68: {  	_ =	shalt  }
0x69: {  	_ =	shalt  }
0x6a: {  	_ =	shalt  }
0x6b: {  	_ =	shalt  }
0x6c: {  	_ =	shalt  }
0x6d: {  	_ =	shalt  }
0x6e: {  	_ =	shalt  }
0x6f: {  	_ =	shalt  }
0x70: {  	_ =	shalt  }
0x71: {  	_ =	shalt  }
0x72: {  	_ =	shalt  }
0x73: {  	_ =	shalt  }
0x74: {  	_ =	shalt  }
0x75: {  	_ =	shalt  }
0x76: {  	_ =	shalt  }
0x77: {  	_ =	shalt  }
0x78: {  	_ =	shalt  }
0x79: {  	_ =	shalt  }
0x7a: {  	_ =	shalt  }
0x7b: {  	_ =	shalt  }
0x7c: {  	_ =	shalt  }
0x7d: {  	_ =	shalt  }
0x7e: {  	_ =	shalt  }
0x7f: {  	_ =	shalt  }
0x80: {  	_ =	shalt  }
0x81: {  	_ =	shalt  }
0x82: {  	_ =	shalt  }
0x83: {  	_ =	shalt  }
0x84: {  	_ =	shalt  }
0x85: {  	_ =	shalt  }
0x86: {  	_ =	shalt  }
0x87: {  	_ =	shalt  }
.Lfunc_end0:
.L_simem_size_0:
called_computation.1_lowered:
.L_overlay_start_0:
0x88: {  	s2 =	sld [smem:$0x3FD9]  }
0x89: {  	s3 =	sld [smem:$0x3FFE];
	_ =	sdelay $0x1  }
0x8a: {  	s1 =	srdreg.scid  }
0x8b: {  	s0 =	sand.u32 $0x1, s1  }
0x8c: {  	s16 =	sshll.u32 s0, $0xA;
	s2 =	sadd.s32 s3, s2  }
0x8d: {  	s2 =	sadd.s32 s2, s16  }
0x8e: {  	[smem:$0x3FB2] =	sst s2  }
0x8f: {  	_ = 	snop  }
0x90: {  	(tm) =	ssettm $0x1  }
0x91: {  	s17 =	sld [smem:$0x3FFB];
	_ =	sdelay $0x3  }
0x92: {  	_ =	strace s17  }
0x93: {  	s2 =	sld [smem:$0x3FFC];
	_ =	sdelay $0x3  }
0x94: {  	_ =	strace s2  }
0x95: {  	s2 =	sld [smem:$0x3FFD];
	_ =	sdelay $0x3  }
0x96: {  	_ =	strace s2  }
0x97: {  	_ =	strace $0x8FFFFFFF  }
0x98: {  	s18 =	sld [smem:$0x3FDB];
	_ =	sdelay $0x1  }
0x99: {  	s19 =	simm.s32 $_scs_section_size  }
0x9a: {  	s4 =	simm.s32 $_size__tile_overlayer_lowered;
	s5 =	simm.s32 $_tile_overlayer_lowered  }
0x9b: {  	s22 =	simm.s32 $0x1BFF;
	s21 =	sshll.u32 s5, $0x1;
	s2 =	sadd.s32 s19, s18  }
0x9c: {  	s6 =	simm.s32 $0x0;
	s20 =	sshll.u32 s4, $0x1;
	s4 =	sadd.s32 s21, s2  }
0x9d: {  	[timem:s6], [sflag:s22] =	dma.local [hbm:s4], s20  }
0x9e: {  	_ =	swait.ge [sflag:s22], s20  }
0x9f: {  	s3 =	ssub.s32 $0x0, s20;
	[sflag:s22] =	ssyncset.done $0x0  }
0xa0: {  	[sflag:s22] =	ssyncadd.s32 s3;
	_ =	sdelay $0x1  }
0xa1: {  	s23 =	simm.s32 $0x1B8B  }
0xa2: {  	_ =	swait.ge [sflag:s23], $0x1  }
0xa3: {  	[sflag:s23] =	ssyncset.done $0x0  }
0xa4: {  	s25 =	simm.s32 $0x1B8E;
	s24 =	sld [smem:$0x3FFE];
	[sflag:s23] =	ssyncadd.s32 $0xFFFFFFFF  }
0xa5: {  	s26 =	simm.s32 $execute0_lowered;
	[smem:$0x3FD2] =	sst s25  }
0xa6: {  	s4 =	sshll.u32 s26, $0x1;
	_ =	strace $0x80000049;
	[dreg:$0x1] =	wrdreg $0xFFFFFFFF  }
0xa7: {  	s28 =	simm.s32 $_size_execute0_lowered;
	s2 =	sadd.s32 s2, s4;
	[dreg:$0x0] =	wrdreg $0x0  }
0xa8: {  	s4 =	sshll.u32 s28, $0x1;
	[dreg:$0x2] =	wrdreg s2  }
0xa9: {  	[dreg:$0x3] =	wrdreg s4  }
0xaa: {  	[dreg:$0x4] =	wrdreg $0xC0  }
0xab: {  	_ =	task [dreg:s6], $0x5FFFF  }
0xac: {  	[dreg:$0x1] =	wrdreg $0xFFFFFFFF  }
0xad: {  	[dreg:$0x0] =	wrdreg $0x60  }
0xae: {  	[dreg:$0x2] =	wrdreg s24  }
0xaf: {  	[dreg:$0x3] =	wrdreg $0x0  }
0xb0: {  	[dreg:$0x4] =	wrdreg $0x9  }
0xb1: {  	_ =	task.clear_ibuf [dreg:s6], $0x5FFFF;
	_ =	strace $0x90000049  }
0xb2: {  	s29 =	simm.s32 $0x9;
	_ =	strace $0x8000004B  }
0xb3: {  	_ =	swait.ge [sflag:s29], $0x1  }
0xb4: {  	[sflag:s29] =	ssyncadd.s32 $0xFFFFFFFF  }
0xb5: {  	_ =	strace $0x9000004B  }
0xb6: {  	_ =	sfence  }
0xb7: {  	s30 =	sld [smem:$0x0];
	_ =	sdelay $0x2  }
0xb8: {  	s31 =	sshll.u32 s1, $0xD;
	s1 =	sshrl.u32 s1, $0x2  }
0xb9: {  	s3 =	sand.u32 $0x4000, s31;
	s1 =	sadd.s32 s1, s30  }
0xba: {  	s0 =	sor.u32 s3, s0;
	s1 =	sshll.u32 s1, $0x11  }
0xbb: {  	s0 =	sor.u32 s1, s0  }
0xbc: {  	s0 =	sadd.s32 $0x8F2B, s0  }
0xbd: {  	[sflag:s0] =	ssyncadd.remote.s32 $0x1  }
0xbe: {  	_ =	sfence.sel $0xFFFF  }
0xbf: {  	[dreg:$0x0] =	wrdreg $0xFFFFFFFF;
	(pc) =	sbr.abs _section_cstart, $3  }
0xc0: {  	[dreg:$0x1] =	wrdreg $0xFFFFFFFF  }
0xc1: {  	_ =	task.clear_ibuf [dreg:s6], $0x2FFFF;
	_ =	strace $0x9FFFFFFF  }
0xc2: {  	(tm) =	ssettm $0x7FFFFFFF  }
0xc3: {  	_ =	shalt  }
tec
execute0_lowered:
.L_overlay_start_1:
0x0: {  	(tag) =	ssettag $0x1  }
0x1: {  	s8 =	rddreg [dreg:$0x0]  }
0x2: {  	s1 =	rddreg [dreg:$0x1]  }
0x3: {  	s2 =	srdreg.scid;
	s0 =	rddreg [dreg:$0x2]  }
0x4: {  	s3 =	simm.s32 $0x0;
	s15 =	simm.s32 $0x14E80;
	s16 =	simm.s32 $0x2  }
0x5: {  	s17 =	simm.s32 $0x14000;
	s18 =	simm.s32 $0x14100;
	s19 =	simm.s32 $0x14200  }
0x6: {  	s20 =	simm.s32 $0xC8;
	s21 =	simm.s32 $0x1;
	s22 =	simm.s32 $0x0  }
0x7: {  	s9 =	sand.u32 $0x1, s2;
	s2 =	stileid.u32;
	[smem:$0x7FF] =	sst s3  }
0x8: {  	s4 =	sadd.s32 $0x17400, s8;
	s5 =	sadd.s32 $0xD600, s8;
	s7 =	smul.u32 $0x140000, s9  }
0x9: {  	s6 =	sadd.s32 $0x3800, s8;
	s10 =	smul.u32 $0x14000, s2;
	_ =	strace $0x8000004A  }
0xa: {  	s11 =	smul.u32 $0x50000, s2;
	s12 =	ssub.s32 $0x2, s9;
	s30 =	sshll.u32 s9, $0x4  }
0xb: {  	s28 =	sshrl.u32 s12, $0x1;
	s31 =	sor.u32 s2, s30;
	s10 =	sadd.s32 s10, s7  }
0xc: {  	s7 =	sadd.s32 $0x4F9400, s8;
	s29 =	sshrl.u32 s11, $0x2;
	s10 =	sshrl.u32 s10, $0x3  }
0xd: {  	s14 =	ssub.s32 s12, s28;
	s13 =	sadd.s32 s10, s8;
	s8 =	sadd.s32 s29, s1  }
0xe: {  	s12 =	smul.u32 $0x2710, s31;
	s14 =	smax.u32 s14, $0x1;
	s9 =	sadd.s32 $0x6400, s8  }
0xf: {  	v0 =	vimm.f32 $0.0e+00;
	s10 =	sadd.s32 $0xC800, s8;
	s11 =	sadd.s32 $0x12C00, s8;
	s13 =	sadd.s32 $0x3E600, s13  }
.LBB2_1:
0x10: {  	s23 =	sand.u32 $0x1FE00, s3  }
0x11: {  	s24 =	sand.u32 $0x70, s3;
	s25 =	sshrl.u32 s23, $0x2  }
0x12: {  	s23 =	simm.s32 $0x40;
	s25 =	sor.u32 s24, s25;
	s24 =	simm.s32 $0x0  }
.LBB2_2:
0x13: {  	p0 =	sne.s32 s23, $0x18FC0  }
0x14: {  	[tilespmem:s25+$0x14E80] =	vst v0;
	s24 =	sadd.s32 $0x10, s24;
	s25 =	smov.u32 s23;
	s23 =	sadd.s32 $0x40, s23  }
.Ltmp0:
0x15: {  	(pc) =	sbr.rel @p0 .LBB2_2-.Ltmp0, $4  }
0x16: {  	_ = 	snop  }
0x17: {  	s25 =	sand.u32 $0x1FE00, s25  }
0x18: {  	s26 =	sand.u32 $0x70, s24;
	s25 =	sshrl.u32 s25, $0x2  }
0x19: {  	s25 =	sor.u32 s26, s25  }
0x1a: {  	[tilespmem:s25+$0x14E80] =	vst v0  }
0x1b: {  	[spmem:s8] =	stream.linear.scatter [tilespmem:s15], [sflag:$0x2], $0x6400, $0x38;
	[tilespmem:$0x1B280] =	vst v63  }
0x1c: {  	_ =	swait.ge [sflag:s16], $0x6400  }
0x1d: {  	[sflag:s16] =	ssyncset.done $0x0  }
0x1e: {  	[sflag:s16] =	ssyncadd.s32 $0xFFFF9C00  }
0x1f: {  	[spmem:s9] =	stream.linear.scatter [tilespmem:s15], [sflag:$0x2], $0x6400, $0x38;
	[tilespmem:$0x1B280] =	vst v63  }
0x20: {  	_ =	swait.ge [sflag:s16], $0x6400  }
0x21: {  	[sflag:s16] =	ssyncset.done $0x0  }
0x22: {  	[sflag:s16] =	ssyncadd.s32 $0xFFFF9C00  }
0x23: {  	[spmem:s10] =	stream.linear.scatter [tilespmem:s15], [sflag:$0x2], $0x6400, $0x38;
	[tilespmem:$0x1B280] =	vst v63  }
0x24: {  	_ =	swait.ge [sflag:s16], $0x6400  }
0x25: {  	[sflag:s16] =	ssyncset.done $0x0  }
0x26: {  	[sflag:s16] =	ssyncadd.s32 $0xFFFF9C00  }
0x27: {  	[spmem:s11] =	stream.linear.scatter [tilespmem:s15], [sflag:$0x2], $0x1400, $0x38;
	[tilespmem:$0x1B280] =	vst v63  }
0x28: {  	_ =	swait.ge [sflag:s16], $0x1400  }
0x29: {  	[sflag:s16] =	ssyncset.done $0x0  }
0x2a: {  	[sflag:s16] =	ssyncadd.s32 $0xFFFFEC00  }
0x2b: {  	s23 =	simm.s32 $0x0;
	s24 =	simm.s32 $0x0;
	[bflag:$0x0] =	sbarrier.arrive $0xFFFF  }
.LBB2_4:
0x2c: {  	s25 =	smul.u32 $0xC8, s24;
	_ =	sdelay $0x1  }
0x2d: {  	s25 =	sadd.s32 s12, s25  }
0x2e: {  	s26 =	sshrl.u32 s25, $0x3  }
0x2f: {  	s28 =	sadd.s32 s5, s26  }
0x30: {  	[tilespmem:s17], [sflag:$0x2] =	stream.linear.gather [hbm4b:s28+s23], $0xC8, $0x38;
	[tilespmem:$0x1B280] =	vst v63  }
0x31: {  	_ =	swait.ge [sflag:s16], $0xC8  }
0x32: {  	[sflag:s16] =	ssyncset.done $0x0  }
0x33: {  	s26 =	sadd.s32 s6, s26;
	[sflag:s16] =	ssyncadd.s32 $0xFFFFFF38  }
0x34: {  	[tilespmem:s18], [sflag:$0x2] =	stream.linear.gather [hbm4b:s26+s23], $0xC8, $0x38;
	[tilespmem:$0x1B280] =	vst v63  }
0x35: {  	_ =	swait.ge [sflag:s16], $0xC8  }
0x36: {  	s25 =	sshll.u32 s25, $0x1;
	[sflag:s16] =	ssyncset.done $0x0  }
0x37: {  	s25 =	sadd.s32 s7, s25;
	[sflag:s16] =	ssyncadd.s32 $0xFFFFFF38  }
0x38: {  	[tilespmem:s19], [sflag:$0x2] =	stream.linear.gather [hbm4b:s25+s23], $0xC80, $0x38;
	[tilespmem:$0x1B280] =	vst v63  }
0x39: {  	_ =	swait.ge [sflag:s16], $0xC80  }
0x3a: {  	[sflag:s16] =	ssyncset.done $0x0  }
0x3b: {  	[sflag:s16] =	ssyncadd.s32 $0xFFFFF380  }
0x3c: {  	[tilespmem:s15], [sflag:$0x1] =	stream.indirect.gather [hbm4b:s4+s20], $0x80, s17, s20, $0xb8;
	[tilespmem:$0x1B280] =	vst v63  }
0x3d: {  	_ =	swait.ge [sflag:s21], $0x6400  }
0x3e: {  	[sflag:s21] =	ssyncset.done $0x0  }
0x3f: {  	s25 =	simm.s32 $0x14EC0;
	[sflag:s21] =	ssyncadd.s32 $0xFFFF9C00  }
0x40: {  	v5 =	vld [tilespmem:s25+$0x30]  }
0x41: {  	v8 =	vld [tilespmem:s25+$0x10]  }
0x42: {  	s31 =	simm.s32 $0x0;
	v6 =	vld [tilespmem:s25+$0xFFFFFFC0]  }
0x43: {  	v2 =	vld [tilespmem:s31+$0x14200]  }
0x44: {  	v10 =	vld [tilespmem:s25+$0xFFFFFFE0]  }
0x45: {  	v1 =	vld [tilespmem:s25+$0xFFFFFFF0]  }
0x46: {  	v3 =	vld [tilespmem:s25+$0x20]  }
0x47: {  	v4 =	vld [tilespmem:s25+$0xFFFFFFD0]  }
0x48: {  	v9 =	vmul.f32 v5, v2;
	v5 =	vld [tilespmem:s25+$0x0]  }
0x49: {  	v7 =	vmul.f32 v6, v2  }
0x4a: {  	s28 =	simm.s32 $0x14EC0;
	s26 =	simm.s32 $0x40;
	v6 =	vmul.f32 v10, v2;
	v8 =	vmul.f32 v8, v2  }
.LBB2_5:
0x4b: {  	p0 =	sne.s32 s26, $0x31C0  }
0x4c: {  	v4 =	vmul.f32 v4, v2;
	v3 =	vmul.f32 v3, v2;
	[tilespmem:s25+$0x30] =	vst v9;
	s28 =	sadd.s32 $0x80, s28;
	s29 =	smov.u32 s26;
	s26 =	sadd.s32 $0x40, s26  }
0x4d: {  	[tilespmem:s25+$0xFFFFFFC0] =	vst v7;
	v7 =	vmul.f32 v1, v2;
	v2 =	vmul.f32 v5, v2  }
0x4e: {  	[tilespmem:s25+$0x10] =	vst v8  }
0x4f: {  	v1 =	vld [tilespmem:s28+$0xFFFFFFF0];
	[tilespmem:s25+$0xFFFFFFE0] =	vst v6  }
0x50: {  	v6 =	vld [tilespmem:s28+$0x30];
	[tilespmem:s25+$0xFFFFFFF0] =	vst v7  }
0x51: {  	v8 =	vld [tilespmem:s28+$0x10];
	[tilespmem:s25+$0x0] =	vst v2  }
0x52: {  	v7 =	vld [tilespmem:s28+$0xFFFFFFC0];
	[tilespmem:s25+$0x20] =	vst v3  }
0x53: {  	s29 =	sshra.s32 s29, $0x2;
	v10 =	vld [tilespmem:s28+$0xFFFFFFE0];
	[tilespmem:s25+$0xFFFFFFD0] =	vst v4;
	s25 =	smov.u32 s28  }
0x54: {  	v2 =	vld [tilespmem:s29+$0x14200]  }
0x55: {  	v3 =	vld [tilespmem:s28+$0x20]  }
.Ltmp1:
0x56: {  	v4 =	vld [tilespmem:s28+$0xFFFFFFD0];
	(pc) =	sbr.rel @p0 .LBB2_5-.Ltmp1, $3  }
0x57: {  	v5 =	vld [tilespmem:s28+$0x0];
	_ =	sdelay $0x1  }
0x58: {  	v7 =	vmul.f32 v7, v2;
	v9 =	vmul.f32 v6, v2  }
0x59: {  	v6 =	vmul.f32 v10, v2;
	v8 =	vmul.f32 v8, v2  }
0x5a: {  	[tilespmem:s25+$0x30] =	vst v9  }
0x5b: {  	[tilespmem:s25+$0xFFFFFFC0] =	vst v7  }
0x5c: {  	v1 =	vmul.f32 v1, v2;
	[tilespmem:s25+$0x10] =	vst v8  }
0x5d: {  	v3 =	vmul.f32 v3, v2;
	[tilespmem:s25+$0xFFFFFFE0] =	vst v6  }
0x5e: {  	v5 =	vmul.f32 v5, v2;
	[tilespmem:s25+$0xFFFFFFF0] =	vst v1  }
0x5f: {  	s24 =	sadd.s32 $0x1, s24;
	v1 =	vmul.f32 v4, v2;
	[tilespmem:s25+$0x20] =	vst v3  }
0x60: {  	p0 =	sne.s32 s24, $0x32;
	[tilespmem:s25+$0x0] =	vst v5  }
.Ltmp2:
0x61: {  	[tilespmem:s25+$0xFFFFFFD0] =	vst v1;
	(pc) =	sbr.rel @p0 .LBB2_4-.Ltmp2, $4  }
0x62: {  	[spmem:s1] =	stream.indirect.scatter.add.f32 [tilespmem:s15], [sflag:$0x2], $0x80, s18, s20, $0xb8;
	[tilespmem:$0x1B280] =	vst v63  }
0x63: {  	_ =	swait.ge [sflag:s16], $0x6400  }
0x64: {  	[sflag:s16] =	ssyncset.done $0x0  }
0x65: {  	[sflag:s16] =	ssyncadd.s32 $0xFFFF9C00  }
0x66: {  	s22 =	sadd.s32 $0x1, s22  }
0x67: {  	s23 =	sshll.u32 s2, $0x6;
	[bflag:$0x0] =	sbarrier.arrive $0xFFFF;
	p0 =	sne.s32 s22, s14  }
.Ltmp3:
0x68: {  	s24 =	sshrl.u32 s8, $0x3;
	s23 =	sor.u32 $0x1C02, s23;
	(pc) =	sbr.rel @p0 .LBB2_1-.Ltmp3, $4  }
0x69: {  	[hbm:s13], [sflag:s23] =	dma.local [spmem:s24], $0x2800  }
0x6a: {  	_ =	swait.ge [sflag:s16], $0x2800  }
0x6b: {  	[sflag:s16] =	ssyncset.done $0x0  }
0x6c: {  	[sflag:s16] =	ssyncadd.s32 $0xFFFFD800  }
0x6d: {  	_ =	sfence.sel $0x180000  }
0x6e: {  	[bflag:$0x0] =	sbarrier.arrive $0xFFFF  }
0x6f: {  	p0 =	sne.s32 s2, $0x0;
	_ =	strace $0x9000004A  }
0x70: {  	s0 =	sadd.s32 @!p0 $0x100000, s0;
	[bflag:$0x2] =	sbarrier.arrive $0xFFFF  }
0x71: {  	[sflag:s0] =	ssyncadd.tile.s32 @!p0 $0x1;
	_ =	shalt  }
.Lfunc_end2:
_tile_overlayer_lowered:
.L_overlay_start_2:
0x72: {  	(tag) =	ssettag $0x2  }
0x73: {  	s0 =	rddreg [dreg:$0x0];
	s2 =	stileid.u32  }
0x74: {  	s1 =	rddreg [dreg:$0x1];
	p0 =	sne.s32 s2, $0x0  }
0x75: {  	s3 =	rddreg [dreg:$0x2];
	[bflag:$0x3] =	sbarrier.arrive $0xFFFF;
	s2 =	simm.s32 @!p0 $0x1C02  }
0x76: {  	[timem:s3], [sflag:s2] =	dma.local @!p0 [hbm:s0], s1  }
0x77: {  	s0 =	simm.s32 @!p0 $0x2  }
0x78: {  	_ =	swait.ge @!p0 [sflag:s0], s1  }
0x79: {  	s1 =	ssub.s32 @!p0 $0x0, s1;
	[sflag:s0] =	ssyncset.done @!p0 $0x0  }
0x7a: {  	[sflag:s0] =	ssyncadd.s32 @!p0 s1  }
0x7b: {  	[bflag:$0x3] =	sbarrier.arrive $0xFFFF  }
0x7c: {  	_ =	shalt  }

// kernel: kernel.13.cloned.1.call-start
scs
__scs_entry_jumppad:
0x0: {  	(pc) =	sbr.rel $0x88, $3  }
0x1: {  	(tag) =	ssettag $0x0;
	lr =	simm.s32 $0x1  }
0x2: {  	[smem:$0x3F8B] =	sst lr;
	_ =	strace $0xD0000000  }
0x3: {  	_ = 	snop  }
0x4: {  	_ = 	snop  }
0x5: {  	_ = 	snop  }
0x6: {  	_ = 	snop  }
0x7: {  	_ = 	snop  }
__scs_overlays_trampoline_lowered:
0x8: {  	[smem:$0x3F9A] =	sst s0  }
0x9: {  	[smem:$0x3F9B] =	sst s1  }
0xa: {  	[smem:$0x3F9C] =	sst s2  }
0xb: {  	[smem:$0x3F9D] =	sst s3  }
0xc: {  	[smem:$0x3F9E] =	sst s4  }
0xd: {  	[smem:$0x3F9F] =	sst s5  }
0xe: {  	[smem:$0x3FA0] =	sst s6  }
0xf: {  	[smem:$0x3FA1] =	sst s7  }
0x10: {  	[smem:$0x3FA2] =	sst s8  }
0x11: {  	[smem:$0x3FA3] =	sst s9;
	s0 =	simm.s32 @!p0 $0x0  }
0x12: {  	s1 =	sld [smem:$0x3F89];
	s0 =	simm.s32 @p0 $0x1  }
0x13: {  	[smem:$0x3FA4] =	sst s0;
	s0 =	simm.s32 @!p1 $0x0  }
0x14: {  	s2 =	sld [smem:$0x3F88];
	s0 =	simm.s32 @p1 $0x1  }
0x15: {  	[smem:$0x3FA5] =	sst s0;
	s0 =	simm.s32 @!p2 $0x0  }
0x16: {  	s3 =	sld [smem:$0x3FDB];
	s0 =	simm.s32 @p2 $0x1  }
0x17: {  	s4 =	simm.s32 $0x1BF5;
	[smem:$0x3FA7] =	sst s0  }
0x18: {  	s0 =	sld [smem:$0x3F8A];
	_ =	swait.ge [sflag:s4], $0x0  }
0x19: {  	s7 =	sld [smem:$0x3F8B]  }
0x1a: {  	s8 =	sadd.s32 $0xFFFFE003, lr  }
0x1b: {  	s9 =	sadd.s32 $0xFFFFFEF7, lr;
	s5 =	simm.s32 $0xFFFFFFFF;
	p2 =	slt.u32 s8, $0xFFFFF086  }
0x1c: {  	p1 =	slt.u32 s9, $0xF7A;
	s5 =	simm.s32 @!p2 $0x0  }
0x1d: {  	s5 =	simm.s32 @p1 $0x1;
	p0 =	seq.s32 s7, s2  }
0x1e: {  	s7 =	smul.u32 @!p0 $0xF7A, s2;
	p2 =	seq.s32 @!p0 s5, $0x0  }
0x1f: {  	s9 =	smul.u32 $0xF7A, s1;
	s8 =	simm.s32 @!p0 $0x1BF5;
	p2 =	por !p2, p0  }
0x20: {  	[sflag:s8] =	ssyncset.s32 @!p0 $0xFFFFF086;
	s6 =	sadd.s32 @!p0 s3, s7;
	s7 =	simm.s32 @!p0 $0x108  }
0x21: {  	s3 =	sadd.s32 s3, s9;
	s6 =	sadd.s32 @!p0 $0x88, s6;
	s7 =	simm.s32 @p2 $0x1082  }
0x22: {  	[simem:s7], [sflag:s8] =	dma.local @!p0 [hbm:s6], $0xF7A  }
0x23: {  	s9 =	sor.u32 $0xD0000000, s2;
	s6 =	simm.s32 $0x108;
	_ =	swait.ge @!p0 [sflag:s8], $0x0  }
0x24: {  	s3 =	sadd.s32 $0x88, s3;
	s6 =	simm.s32 @!p1 $0x1082;
	[sflag:s4] =	ssyncset.s32 $0xFFFFF086  }
0x25: {  	[simem:s6], [sflag:s4] =	dma.local [hbm:s3], $0xF7A  }
0x26: {  	[smem:$0x3F8B] =	sst s1;
	(tag) =	ssettag s2;
	_ =	strace s9  }
0x27: {  	s1 =	sld [smem:$0x3F9B]  }
0x28: {  	s2 =	sld [smem:$0x3F9C]  }
0x29: {  	s4 =	sld [smem:$0x3F9E]  }
0x2a: {  	p0 =	seq.s32 s5, $0x0;
	s5 =	sld [smem:$0x3F9F]  }
0x2b: {  	s6 =	sld [smem:$0x3FA0]  }
0x2c: {  	s7 =	sld [smem:$0x3FA1]  }
0x2d: {  	s3 =	simm.s32 $0x108;
	s8 =	sld [smem:$0x3FA2]  }
0x2e: {  	s3 =	simm.s32 @!p0 $0x1082;
	s9 =	sld [smem:$0x3FA3]  }
0x2f: {  	lr =	sadd.s32 s0, s3;
	s0 =	sld [smem:$0x3F9A]  }
0x30: {  	s3 =	sld [smem:$0x3F9D]  }
0x31: {  	[smem:$0x3FA6] =	sst s10  }
0x32: {  	s10 =	sld [smem:$0x3FA4];
	_ =	sdelay $0x3  }
0x33: {  	p0 =	seq.s32 s10, $0x1;
	s10 =	sld [smem:$0x3FA6];
	_ =	sdelay $0x3  }
0x34: {  	[smem:$0x3FA6] =	sst s10  }
0x35: {  	s10 =	sld [smem:$0x3FA5];
	_ =	sdelay $0x3  }
0x36: {  	p1 =	seq.s32 s10, $0x1;
	s10 =	sld [smem:$0x3FA6];
	_ =	sdelay $0x3  }
0x37: {  	[smem:$0x3FA6] =	sst s10  }
0x38: {  	s10 =	sld [smem:$0x3FA7]  }
0x39: {  	_ = 	snop;
	(pc) =	sbr.ind lr, $3  }
0x3a: {  	_ = 	snop  }
0x3b: {  	_ = 	snop  }
0x3c: {  	p2 =	seq.s32 s10, $0x1;
	s10 =	sld [smem:$0x3FA6]  }
0x3d: {  	_ =	shalt  }
0x3e: {  	_ =	shalt  }
0x3f: {  	_ =	shalt  }
0x40: {  	_ =	shalt  }
0x41: {  	_ =	shalt  }
0x42: {  	_ =	shalt  }
0x43: {  	_ =	shalt  }
0x44: {  	_ =	shalt  }
0x45: {  	_ =	shalt  }
0x46: {  	_ =	shalt  }
0x47: {  	_ =	shalt  }
0x48: {  	_ =	shalt  }
0x49: {  	_ =	shalt  }
0x4a: {  	_ =	shalt  }
0x4b: {  	_ =	shalt  }
0x4c: {  	_ =	shalt  }
0x4d: {  	_ =	shalt  }
0x4e: {  	_ =	shalt  }
0x4f: {  	_ =	shalt  }
0x50: {  	_ =	shalt  }
0x51: {  	_ =	shalt  }
0x52: {  	_ =	shalt  }
0x53: {  	_ =	shalt  }
0x54: {  	_ =	shalt  }
0x55: {  	_ =	shalt  }
0x56: {  	_ =	shalt  }
0x57: {  	_ =	shalt  }
0x58: {  	_ =	shalt  }
0x59: {  	_ =	shalt  }
0x5a: {  	_ =	shalt  }
0x5b: {  	_ =	shalt  }
0x5c: {  	_ =	shalt  }
0x5d: {  	_ =	shalt  }
0x5e: {  	_ =	shalt  }
0x5f: {  	_ =	shalt  }
0x60: {  	_ =	shalt  }
0x61: {  	_ =	shalt  }
0x62: {  	_ =	shalt  }
0x63: {  	_ =	shalt  }
0x64: {  	_ =	shalt  }
0x65: {  	_ =	shalt  }
0x66: {  	_ =	shalt  }
0x67: {  	_ =	shalt  }
0x68: {  	_ =	shalt  }
0x69: {  	_ =	shalt  }
0x6a: {  	_ =	shalt  }
0x6b: {  	_ =	shalt  }
0x6c: {  	_ =	shalt  }
0x6d: {  	_ =	shalt  }
0x6e: {  	_ =	shalt  }
0x6f: {  	_ =	shalt  }
0x70: {  	_ =	shalt  }
0x71: {  	_ =	shalt  }
0x72: {  	_ =	shalt  }
0x73: {  	_ =	shalt  }
0x74: {  	_ =	shalt  }
0x75: {  	_ =	shalt  }
0x76: {  	_ =	shalt  }
0x77: {  	_ =	shalt  }
0x78: {  	_ =	shalt  }
0x79: {  	_ =	shalt  }
0x7a: {  	_ =	shalt  }
0x7b: {  	_ =	shalt  }
0x7c: {  	_ =	shalt  }
0x7d: {  	_ =	shalt  }
0x7e: {  	_ =	shalt  }
0x7f: {  	_ =	shalt  }
0x80: {  	_ =	shalt  }
0x81: {  	_ =	shalt  }
0x82: {  	_ =	shalt  }
0x83: {  	_ =	shalt  }
0x84: {  	_ =	shalt  }
0x85: {  	_ =	shalt  }
0x86: {  	_ =	shalt  }
0x87: {  	_ =	shalt  }
.Lfunc_end0:
.L_simem_size_0:
called_computation.2_lowered:
.L_overlay_start_0:
0x88: {  	s2 =	sld [smem:$0x3FD9]  }
0x89: {  	s3 =	sld [smem:$0x3FFE];
	_ =	sdelay $0x1  }
0x8a: {  	s1 =	srdreg.scid  }
0x8b: {  	s0 =	sand.u32 $0x1, s1  }
0x8c: {  	s17 =	sshll.u32 s0, $0xA;
	s2 =	sadd.s32 s3, s2  }
0x8d: {  	s2 =	sadd.s32 s2, s17  }
0x8e: {  	[smem:$0x3FB2] =	sst s2  }
0x8f: {  	_ = 	snop  }
0x90: {  	s2 =	sld [smem:$0x3FC6]  }
0x91: {  	s18 =	sld [smem:$0x3FD0];
	(tm) =	ssettm $0x1  }
0x92: {  	s4 =	sld [smem:$0x3FFB];
	_ =	sdelay $0x3  }
0x93: {  	_ =	strace s4  }
0x94: {  	s4 =	sld [smem:$0x3FFC];
	_ =	sdelay $0x3  }
0x95: {  	_ =	strace s4  }
0x96: {  	s4 =	sld [smem:$0x3FFD];
	_ =	sdelay $0x3  }
0x97: {  	_ =	strace s4  }
0x98: {  	_ =	strace $0x8FFFFFFF  }
0x99: {  	s19 =	sld [smem:$0x3FDB];
	_ =	sdelay $0x1  }
0x9a: {  	s5 =	simm.s32 $_scs_section_size  }
0x9b: {  	s6 =	simm.s32 $_size__tile_overlayer_lowered;
	s7 =	simm.s32 $_tile_overlayer_lowered  }
0x9c: {  	s22 =	simm.s32 $0x1BFF;
	s21 =	sshll.u32 s7, $0x1;
	s4 =	sadd.s32 s5, s19  }
0x9d: {  	s8 =	simm.s32 $0x0;
	s20 =	sshll.u32 s6, $0x1;
	s6 =	sadd.s32 s21, s4  }
0x9e: {  	[timem:s8], [sflag:s22] =	dma.local [hbm:s6], s20  }
0x9f: {  	_ =	swait.ge [sflag:s22], s20  }
0xa0: {  	s5 =	ssub.s32 $0x0, s20;
	[sflag:s22] =	ssyncset.done $0x0  }
0xa1: {  	[sflag:s22] =	ssyncadd.s32 s5;
	_ =	sdelay $0x1  }
0xa2: {  	s23 =	simm.s32 $0x1B8B  }
0xa3: {  	_ =	swait.ge [sflag:s23], $0x1  }
0xa4: {  	[sflag:s23] =	ssyncset.done $0x0  }
0xa5: {  	s25 =	simm.s32 $0x1B8E;
	s24 =	sld [smem:$0x3FFE];
	[sflag:s23] =	ssyncadd.s32 $0xFFFFFFFF  }
0xa6: {  	s26 =	simm.s32 $execute0_lowered;
	[smem:$0x3FD2] =	sst s25  }
0xa7: {  	s6 =	sshll.u32 s26, $0x1;
	_ =	strace $0x8000004C;
	[dreg:$0x1] =	wrdreg $0xFFFFFFFF  }
0xa8: {  	s28 =	simm.s32 $_size_execute0_lowered;
	s4 =	sadd.s32 s4, s6;
	[dreg:$0x0] =	wrdreg $0x0  }
0xa9: {  	s6 =	sshll.u32 s28, $0x1;
	[dreg:$0x2] =	wrdreg s4  }
0xaa: {  	[dreg:$0x3] =	wrdreg s6  }
0xab: {  	[dreg:$0x4] =	wrdreg $0xC0  }
0xac: {  	_ =	task [dreg:s8], $0x5FFFF  }
0xad: {  	[dreg:$0x1] =	wrdreg $0xFFFFFFFF  }
0xae: {  	[dreg:$0x0] =	wrdreg $0x60  }
0xaf: {  	[dreg:$0x2] =	wrdreg s24  }
0xb0: {  	[dreg:$0x3] =	wrdreg s2  }
0xb1: {  	[dreg:$0x4] =	wrdreg s18  }
0xb2: {  	[dreg:$0x5] =	wrdreg $0x9  }
0xb3: {  	_ =	task.clear_ibuf [dreg:s8], $0x6FFFF;
	_ =	strace $0x9000004C  }
0xb4: {  	s29 =	simm.s32 $0x9;
	_ =	strace $0x8000004E  }
0xb5: {  	_ =	swait.ge [sflag:s29], $0x1  }
0xb6: {  	[sflag:s29] =	ssyncadd.s32 $0xFFFFFFFF  }
0xb7: {  	_ =	strace $0x9000004E  }
0xb8: {  	_ =	sfence  }
0xb9: {  	s30 =	sld [smem:$0x0];
	_ =	sdelay $0x2  }
0xba: {  	s31 =	sshll.u32 s1, $0xD;
	s1 =	sshrl.u32 s1, $0x2  }
0xbb: {  	s3 =	sand.u32 $0x4000, s31;
	s1 =	sadd.s32 s1, s30  }
0xbc: {  	s0 =	sor.u32 s3, s0;
	s1 =	sshll.u32 s1, $0x11  }
0xbd: {  	s0 =	sor.u32 s1, s0  }
0xbe: {  	s0 =	sadd.s32 $0x8F2B, s0  }
0xbf: {  	[sflag:s0] =	ssyncadd.remote.s32 $0x1  }
0xc0: {  	_ =	sfence.sel $0xFFFF  }
0xc1: {  	[dreg:$0x0] =	wrdreg $0xFFFFFFFF;
	(pc) =	sbr.abs _section_cstart, $3  }
0xc2: {  	[dreg:$0x1] =	wrdreg $0xFFFFFFFF  }
0xc3: {  	_ =	task.clear_ibuf [dreg:s8], $0x2FFFF;
	_ =	strace $0x9FFFFFFF  }
0xc4: {  	(tm) =	ssettm $0x7FFFFFFF  }
0xc5: {  	_ =	shalt  }
tec
execute0_lowered:
.L_overlay_start_1:
0x0: {  	(tag) =	ssettag $0x1  }
0x1: {  	s1 =	srdreg.scid;
	s0 =	stileid.u32  }
0x2: {  	s6 =	sand.u32 $0x1, s1;
	s4 =	sshll.u32 s0, $0x1  }
0x3: {  	s10 =	sor.u32 s6, s4  }
0x4: {  	p0 =	sgt.u32 s10, $0x18  }
.Ltmp0:
0x5: {  	s5 =	rddreg [dreg:$0x0];
	(pc) =	sbr.rel @p0 .LBB2_4-.Ltmp0, $4  }
0x6: {  	s3 =	rddreg [dreg:$0x1]  }
0x7: {  	s9 =	rddreg [dreg:$0x2];
	s2 =	simm.s32 $0x0  }
0x8: {  	[smem:$0x7FF] =	sst s2  }
0x9: {  	s1 =	rddreg [dreg:$0x3];
	_ =	strace $0x8000004D  }
0xa: {  	s4 =	smul.u32 $0x5, s10  }
0xb: {  	s5 =	sadd.s32 $0x3800, s5  }
0xc: {  	s11 =	ssub.s32 $0x2, s6;
	s4 =	sadd.s32 s3, s4;
	s3 =	simm.s32 $0x2  }
0xd: {  	[tilespmem:s2], [sflag:$0x2] =	stream.linear.gather [hbm4b:s4+s2], $0x28, $0x38;
	[tilespmem:$0x1480] =	vst v63  }
0xe: {  	s6 =	simm.s32 $0x28;
	s12 =	sshrl.u32 s11, $0x1;
	_ =	swait.ge [sflag:s3], $0x28  }
0xf: {  	s7 =	simm.s32 $0x80;
	s11 =	ssub.s32 s11, s12;
	[sflag:s3] =	ssyncset.done $0x0  }
0x10: {  	s8 =	simm.s32 $0x1;
	s31 =	smax.u32 s11, $0x1;
	[sflag:s3] =	ssyncadd.s32 $0xFFFFFFD8  }
0x11: {  	[tilespmem:s7], [sflag:$0x1] =	stream.indirect.gather [hbm4b:s5+s6], $0x80, s2, s6, $0xb8;
	[tilespmem:$0x1480] =	vst v63  }
0x12: {  	s30 =	smul.u32 $0x280, s10;
	p0 =	sne.s32 s31, $0x1;
	_ =	swait.ge [sflag:s8], $0x1400  }
.Ltmp1:
0x13: {  	[sflag:s8] =	ssyncset.done $0x0;
	(pc) =	sbr.rel @!p0 .LBB2_3-.Ltmp1, $4  }
0x14: {  	s9 =	sadd.s32 s9, s30;
	[sflag:s8] =	ssyncadd.s32 $0xFFFFEC00  }
0x15: {  	[hbm4b:s9+s2] =	stream.linear.scatter [tilespmem:s7], [sflag:$0x2], $0x1400, $0x38;
	[tilespmem:$0x1480] =	vst v63  }
0x16: {  	_ =	swait.ge [sflag:s3], $0x1400  }
0x17: {  	s10 =	sadd.s32 $0xFFFFFFFF, s31;
	[sflag:s3] =	ssyncset.done $0x0  }
.LBB2_2:
0x18: {  	p0 =	sne.s32 s10, $0x1;
	s10 =	sadd.s32 $0xFFFFFFFF, s10;
	[sflag:s3] =	ssyncadd.s32 $0xFFFFEC00  }
0x19: {  	[tilespmem:s2], [sflag:$0x2] =	stream.linear.gather [hbm4b:s4+s2], $0x28, $0x38;
	[tilespmem:$0x1480] =	vst v63  }
0x1a: {  	_ =	swait.ge [sflag:s3], $0x28  }
0x1b: {  	[sflag:s3] =	ssyncset.done $0x0  }
0x1c: {  	[sflag:s3] =	ssyncadd.s32 $0xFFFFFFD8  }
0x1d: {  	[tilespmem:s7], [sflag:$0x1] =	stream.indirect.gather [hbm4b:s5+s6], $0x80, s2, s6, $0xb8;
	[tilespmem:$0x1480] =	vst v63  }
0x1e: {  	_ =	swait.ge [sflag:s8], $0x1400  }
.Ltmp2:
0x1f: {  	[sflag:s8] =	ssyncset.done $0x0;
	(pc) =	sbr.rel @p0 .LBB2_2-.Ltmp2, $4  }
0x20: {  	[sflag:s8] =	ssyncadd.s32 $0xFFFFEC00  }
0x21: {  	[hbm4b:s9+s2] =	stream.linear.scatter [tilespmem:s7], [sflag:$0x2], $0x1400, $0x38;
	[tilespmem:$0x1480] =	vst v63  }
0x22: {  	_ =	swait.ge [sflag:s3], $0x1400  }
0x23: {  	[sflag:s3] =	ssyncset.done $0x0  }
.LBB2_3:
0x24: {  	[sflag:s3] =	ssyncadd.s32 $0xFFFFEC00  }
.LBB2_4:
0x25: {  	_ =	sfence.sel $0x180000  }
0x26: {  	[bflag:$0x0] =	sbarrier.arrive $0xFFFF  }
0x27: {  	p0 =	sne.s32 s0, $0x0;
	_ =	strace $0x9000004D  }
0x28: {  	s0 =	sadd.s32 @!p0 $0x100000, s1;
	[bflag:$0x2] =	sbarrier.arrive $0xFFFF  }
0x29: {  	[sflag:s0] =	ssyncadd.tile.s32 @!p0 $0x1;
	_ =	shalt  }
.Lfunc_end2:
_tile_overlayer_lowered:
.L_overlay_start_2:
0x2a: {  	(tag) =	ssettag $0x2  }
0x2b: {  	s0 =	rddreg [dreg:$0x0];
	s2 =	stileid.u32  }
0x2c: {  	s1 =	rddreg [dreg:$0x1];
	p0 =	sne.s32 s2, $0x0  }
0x2d: {  	s3 =	rddreg [dreg:$0x2];
	[bflag:$0x3] =	sbarrier.arrive $0xFFFF;
	s2 =	simm.s32 @!p0 $0x1C02  }
0x2e: {  	[timem:s3], [sflag:s2] =	dma.local @!p0 [hbm:s0], s1  }
0x2f: {  	s0 =	simm.s32 @!p0 $0x2  }
0x30: {  	_ =	swait.ge @!p0 [sflag:s0], s1  }
0x31: {  	s1 =	ssub.s32 @!p0 $0x0, s1;
	[sflag:s0] =	ssyncset.done @!p0 $0x0  }
0x32: {  	[sflag:s0] =	ssyncadd.s32 @!p0 s1  }
0x33: {  	[bflag:$0x3] =	sbarrier.arrive $0xFFFF  }
0x34: {  	_ =	shalt  }

// kernel: kernel.7.cloned.1.call-start
scs
__scs_entry_jumppad:
0x0: {  	(pc) =	sbr.rel $0x88, $3  }
0x1: {  	(tag) =	ssettag $0x0;
	lr =	simm.s32 $0x1  }
0x2: {  	[smem:$0x3F8B] =	sst lr;
	_ =	strace $0xD0000000  }
0x3: {  	_ = 	snop  }
0x4: {  	_ = 	snop  }
0x5: {  	_ = 	snop  }
0x6: {  	_ = 	snop  }
0x7: {  	_ = 	snop  }
__scs_overlays_trampoline_lowered:
0x8: {  	[smem:$0x3F9A] =	sst s0  }
0x9: {  	[smem:$0x3F9B] =	sst s1  }
0xa: {  	[smem:$0x3F9C] =	sst s2  }
0xb: {  	[smem:$0x3F9D] =	sst s3  }
0xc: {  	[smem:$0x3F9E] =	sst s4  }
0xd: {  	[smem:$0x3F9F] =	sst s5  }
0xe: {  	[smem:$0x3FA0] =	sst s6  }
0xf: {  	[smem:$0x3FA1] =	sst s7  }
0x10: {  	[smem:$0x3FA2] =	sst s8  }
0x11: {  	[smem:$0x3FA3] =	sst s9;
	s0 =	simm.s32 @!p0 $0x0  }
0x12: {  	s1 =	sld [smem:$0x3F89];
	s0 =	simm.s32 @p0 $0x1  }
0x13: {  	[smem:$0x3FA4] =	sst s0;
	s0 =	simm.s32 @!p1 $0x0  }
0x14: {  	s2 =	sld [smem:$0x3F88];
	s0 =	simm.s32 @p1 $0x1  }
0x15: {  	[smem:$0x3FA5] =	sst s0;
	s0 =	simm.s32 @!p2 $0x0  }
0x16: {  	s3 =	sld [smem:$0x3FDB];
	s0 =	simm.s32 @p2 $0x1  }
0x17: {  	s4 =	simm.s32 $0x1BF5;
	[smem:$0x3FA7] =	sst s0  }
0x18: {  	s0 =	sld [smem:$0x3F8A];
	_ =	swait.ge [sflag:s4], $0x0  }
0x19: {  	s7 =	sld [smem:$0x3F8B]  }
0x1a: {  	s8 =	sadd.s32 $0xFFFFE003, lr  }
0x1b: {  	s9 =	sadd.s32 $0xFFFFFEF7, lr;
	s5 =	simm.s32 $0xFFFFFFFF;
	p2 =	slt.u32 s8, $0xFFFFF086  }
0x1c: {  	p1 =	slt.u32 s9, $0xF7A;
	s5 =	simm.s32 @!p2 $0x0  }
0x1d: {  	s5 =	simm.s32 @p1 $0x1;
	p0 =	seq.s32 s7, s2  }
0x1e: {  	s7 =	smul.u32 @!p0 $0xF7A, s2;
	p2 =	seq.s32 @!p0 s5, $0x0  }
0x1f: {  	s9 =	smul.u32 $0xF7A, s1;
	s8 =	simm.s32 @!p0 $0x1BF5;
	p2 =	por !p2, p0  }
0x20: {  	[sflag:s8] =	ssyncset.s32 @!p0 $0xFFFFF086;
	s6 =	sadd.s32 @!p0 s3, s7;
	s7 =	simm.s32 @!p0 $0x108  }
0x21: {  	s3 =	sadd.s32 s3, s9;
	s6 =	sadd.s32 @!p0 $0x88, s6;
	s7 =	simm.s32 @p2 $0x1082  }
0x22: {  	[simem:s7], [sflag:s8] =	dma.local @!p0 [hbm:s6], $0xF7A  }
0x23: {  	s9 =	sor.u32 $0xD0000000, s2;
	s6 =	simm.s32 $0x108;
	_ =	swait.ge @!p0 [sflag:s8], $0x0  }
0x24: {  	s3 =	sadd.s32 $0x88, s3;
	s6 =	simm.s32 @!p1 $0x1082;
	[sflag:s4] =	ssyncset.s32 $0xFFFFF086  }
0x25: {  	[simem:s6], [sflag:s4] =	dma.local [hbm:s3], $0xF7A  }
0x26: {  	[smem:$0x3F8B] =	sst s1;
	(tag) =	ssettag s2;
	_ =	strace s9  }
0x27: {  	s1 =	sld [smem:$0x3F9B]  }
0x28: {  	s2 =	sld [smem:$0x3F9C]  }
0x29: {  	s4 =	sld [smem:$0x3F9E]  }
0x2a: {  	p0 =	seq.s32 s5, $0x0;
	s5 =	sld [smem:$0x3F9F]  }
0x2b: {  	s6 =	sld [smem:$0x3FA0]  }
0x2c: {  	s7 =	sld [smem:$0x3FA1]  }
0x2d: {  	s3 =	simm.s32 $0x108;
	s8 =	sld [smem:$0x3FA2]  }
0x2e: {  	s3 =	simm.s32 @!p0 $0x1082;
	s9 =	sld [smem:$0x3FA3]  }
0x2f: {  	lr =	sadd.s32 s0, s3;
	s0 =	sld [smem:$0x3F9A]  }
0x30: {  	s3 =	sld [smem:$0x3F9D]  }
0x31: {  	[smem:$0x3FA6] =	sst s10  }
0x32: {  	s10 =	sld [smem:$0x3FA4];
	_ =	sdelay $0x3  }
0x33: {  	p0 =	seq.s32 s10, $0x1;
	s10 =	sld [smem:$0x3FA6];
	_ =	sdelay $0x3  }
0x34: {  	[smem:$0x3FA6] =	sst s10  }
0x35: {  	s10 =	sld [smem:$0x3FA5];
	_ =	sdelay $0x3  }
0x36: {  	p1 =	seq.s32 s10, $0x1;
	s10 =	sld [smem:$0x3FA6];
	_ =	sdelay $0x3  }
0x37: {  	[smem:$0x3FA6] =	sst s10  }
0x38: {  	s10 =	sld [smem:$0x3FA7]  }
0x39: {  	_ = 	snop;
	(pc) =	sbr.ind lr, $3  }
0x3a: {  	_ = 	snop  }
0x3b: {  	_ = 	snop  }
0x3c: {  	p2 =	seq.s32 s10, $0x1;
	s10 =	sld [smem:$0x3FA6]  }
0x3d: {  	_ =	shalt  }
0x3e: {  	_ =	shalt  }
0x3f: {  	_ =	shalt  }
0x40: {  	_ =	shalt  }
0x41: {  	_ =	shalt  }
0x42: {  	_ =	shalt  }
0x43: {  	_ =	shalt  }
0x44: {  	_ =	shalt  }
0x45: {  	_ =	shalt  }
0x46: {  	_ =	shalt  }
0x47: {  	_ =	shalt  }
0x48: {  	_ =	shalt  }
0x49: {  	_ =	shalt  }
0x4a: {  	_ =	shalt  }
0x4b: {  	_ =	shalt  }
0x4c: {  	_ =	shalt  }
0x4d: {  	_ =	shalt  }
0x4e: {  	_ =	shalt  }
0x4f: {  	_ =	shalt  }
0x50: {  	_ =	shalt  }
0x51: {  	_ =	shalt  }
0x52: {  	_ =	shalt  }
0x53: {  	_ =	shalt  }
0x54: {  	_ =	shalt  }
0x55: {  	_ =	shalt  }
0x56: {  	_ =	shalt  }
0x57: {  	_ =	shalt  }
0x58: {  	_ =	shalt  }
0x59: {  	_ =	shalt  }
0x5a: {  	_ =	shalt  }
0x5b: {  	_ =	shalt  }
0x5c: {  	_ =	shalt  }
0x5d: {  	_ =	shalt  }
0x5e: {  	_ =	shalt  }
0x5f: {  	_ =	shalt  }
0x60: {  	_ =	shalt  }
0x61: {  	_ =	shalt  }
0x62: {  	_ =	shalt  }
0x63: {  	_ =	shalt  }
0x64: {  	_ =	shalt  }
0x65: {  	_ =	shalt  }
0x66: {  	_ =	shalt  }
0x67: {  	_ =	shalt  }
0x68: {  	_ =	shalt  }
0x69: {  	_ =	shalt  }
0x6a: {  	_ =	shalt  }
0x6b: {  	_ =	shalt  }
0x6c: {  	_ =	shalt  }
0x6d: {  	_ =	shalt  }
0x6e: {  	_ =	shalt  }
0x6f: {  	_ =	shalt  }
0x70: {  	_ =	shalt  }
0x71: {  	_ =	shalt  }
0x72: {  	_ =	shalt  }
0x73: {  	_ =	shalt  }
0x74: {  	_ =	shalt  }
0x75: {  	_ =	shalt  }
0x76: {  	_ =	shalt  }
0x77: {  	_ =	shalt  }
0x78: {  	_ =	shalt  }
0x79: {  	_ =	shalt  }
0x7a: {  	_ =	shalt  }
0x7b: {  	_ =	shalt  }
0x7c: {  	_ =	shalt  }
0x7d: {  	_ =	shalt  }
0x7e: {  	_ =	shalt  }
0x7f: {  	_ =	shalt  }
0x80: {  	_ =	shalt  }
0x81: {  	_ =	shalt  }
0x82: {  	_ =	shalt  }
0x83: {  	_ =	shalt  }
0x84: {  	_ =	shalt  }
0x85: {  	_ =	shalt  }
0x86: {  	_ =	shalt  }
0x87: {  	_ =	shalt  }
.Lfunc_end0:
.L_simem_size_0:
called_computation_lowered:
.L_overlay_start_0:
0x88: {  	s2 =	sld [smem:$0x3FD9]  }
0x89: {  	s3 =	sld [smem:$0x3FFE];
	_ =	sdelay $0x1  }
0x8a: {  	s1 =	srdreg.scid  }
0x8b: {  	s0 =	sand.u32 $0x1, s1  }
0x8c: {  	s17 =	sshll.u32 s0, $0xA;
	s2 =	sadd.s32 s3, s2  }
0x8d: {  	s2 =	sadd.s32 s2, s17  }
0x8e: {  	[smem:$0x3FB2] =	sst s2  }
0x8f: {  	_ = 	snop  }
0x90: {  	s2 =	sld [smem:$0x3FC9];
	(tm) =	ssettm $0x1  }
0x91: {  	s18 =	sld [smem:$0x3FFB];
	_ =	sdelay $0x3  }
0x92: {  	_ =	strace s18  }
0x93: {  	s3 =	sld [smem:$0x3FFC];
	_ =	sdelay $0x3  }
0x94: {  	_ =	strace s3  }
0x95: {  	s3 =	sld [smem:$0x3FFD];
	_ =	sdelay $0x3  }
0x96: {  	_ =	strace s3  }
0x97: {  	_ =	strace $0x8FFFFFFF  }
0x98: {  	s19 =	sld [smem:$0x3FDB];
	_ =	sdelay $0x1  }
0x99: {  	s4 =	simm.s32 $_scs_section_size  }
0x9a: {  	s5 =	simm.s32 $_size__tile_overlayer_lowered;
	s6 =	simm.s32 $_tile_overlayer_lowered  }
0x9b: {  	s22 =	simm.s32 $0x1BFF;
	s21 =	sshll.u32 s6, $0x1;
	s3 =	sadd.s32 s4, s19  }
0x9c: {  	s7 =	simm.s32 $0x0;
	s20 =	sshll.u32 s5, $0x1;
	s5 =	sadd.s32 s21, s3  }
0x9d: {  	[timem:s7], [sflag:s22] =	dma.local [hbm:s5], s20  }
0x9e: {  	_ =	swait.ge [sflag:s22], s20  }
0x9f: {  	s4 =	ssub.s32 $0x0, s20;
	[sflag:s22] =	ssyncset.done $0x0  }
0xa0: {  	[sflag:s22] =	ssyncadd.s32 s4;
	_ =	sdelay $0x1  }
0xa1: {  	s23 =	simm.s32 $0x1B8B  }
0xa2: {  	_ =	swait.ge [sflag:s23], $0x1  }
0xa3: {  	[sflag:s23] =	ssyncset.done $0x0  }
0xa4: {  	s25 =	simm.s32 $0x1B8E;
	s24 =	sld [smem:$0x3FFE];
	[sflag:s23] =	ssyncadd.s32 $0xFFFFFFFF  }
0xa5: {  	s26 =	simm.s32 $execute0_lowered;
	[smem:$0x3FD2] =	sst s25  }
0xa6: {  	s5 =	sshll.u32 s26, $0x1;
	_ =	strace $0x80000046;
	[dreg:$0x1] =	wrdreg $0xFFFFFFFF  }
0xa7: {  	s28 =	simm.s32 $_size_execute0_lowered;
	s3 =	sadd.s32 s3, s5;
	[dreg:$0x0] =	wrdreg $0x0  }
0xa8: {  	s5 =	sshll.u32 s28, $0x1;
	[dreg:$0x2] =	wrdreg s3  }
0xa9: {  	[dreg:$0x3] =	wrdreg s5  }
0xaa: {  	[dreg:$0x4] =	wrdreg $0xC0  }
0xab: {  	_ =	task [dreg:s7], $0x5FFFF  }
0xac: {  	[dreg:$0x1] =	wrdreg $0xFFFFFFFF  }
0xad: {  	[dreg:$0x0] =	wrdreg $0x60  }
0xae: {  	[dreg:$0x2] =	wrdreg s2  }
0xaf: {  	[dreg:$0x3] =	wrdreg s24  }
0xb0: {  	[dreg:$0x4] =	wrdreg $0x0  }
0xb1: {  	[dreg:$0x5] =	wrdreg $0x9  }
0xb2: {  	_ =	task.clear_ibuf [dreg:s7], $0x6FFFF;
	_ =	strace $0x90000046  }
0xb3: {  	s29 =	simm.s32 $0x9;
	_ =	strace $0x80000048  }
0xb4: {  	_ =	swait.ge [sflag:s29], $0x1  }
0xb5: {  	[sflag:s29] =	ssyncadd.s32 $0xFFFFFFFF  }
0xb6: {  	_ =	strace $0x90000048  }
0xb7: {  	_ =	sfence  }
0xb8: {  	s30 =	sld [smem:$0x0];
	_ =	sdelay $0x2  }
0xb9: {  	s31 =	sshll.u32 s1, $0xD;
	s1 =	sshrl.u32 s1, $0x2  }
0xba: {  	s3 =	sand.u32 $0x4000, s31;
	s1 =	sadd.s32 s1, s30  }
0xbb: {  	s0 =	sor.u32 s3, s0;
	s1 =	sshll.u32 s1, $0x11  }
0xbc: {  	s0 =	sor.u32 s1, s0  }
0xbd: {  	s0 =	sadd.s32 $0x8F2B, s0  }
0xbe: {  	[sflag:s0] =	ssyncadd.remote.s32 $0x1  }
0xbf: {  	_ =	sfence.sel $0xFFFF  }
0xc0: {  	[dreg:$0x0] =	wrdreg $0xFFFFFFFF;
	(pc) =	sbr.abs _section_cstart, $3  }
0xc1: {  	[dreg:$0x1] =	wrdreg $0xFFFFFFFF  }
0xc2: {  	_ =	task.clear_ibuf [dreg:s7], $0x2FFFF;
	_ =	strace $0x9FFFFFFF  }
0xc3: {  	(tm) =	ssettm $0x7FFFFFFF  }
tec
execute0_lowered:
.L_overlay_start_1:
0x0: {  	(tag) =	ssettag $0x1  }
0x1: {  	s1 =	rddreg [dreg:$0x0]  }
0x2: {  	s8 =	rddreg [dreg:$0x1]  }
0x3: {  	s2 =	rddreg [dreg:$0x2];
	s3 =	srdreg.scid  }
0x4: {  	s0 =	rddreg [dreg:$0x3];
	s4 =	simm.s32 $0x0;
	s15 =	simm.s32 $0x14E80  }
0x5: {  	s16 =	simm.s32 $0x2;
	s17 =	simm.s32 $0x14000;
	s18 =	simm.s32 $0x14100  }
0x6: {  	s19 =	simm.s32 $0x14200;
	s20 =	simm.s32 $0xC8;
	s21 =	simm.s32 $0x1  }
0x7: {  	s22 =	simm.s32 $0x0;
	s9 =	sand.u32 $0x1, s3;
	s3 =	stileid.u32  }
0x8: {  	[smem:$0x7FF] =	sst s4;
	s5 =	sadd.s32 $0xD600, s8;
	s7 =	smul.u32 $0x140000, s9  }
0x9: {  	s6 =	sadd.s32 $0x3800, s8;
	s10 =	smul.u32 $0x14000, s3;
	_ =	strace $0x80000047  }
0xa: {  	s11 =	smul.u32 $0x50000, s3;
	s12 =	ssub.s32 $0x2, s9;
	s30 =	sshll.u32 s9, $0x4  }
0xb: {  	s28 =	sshrl.u32 s12, $0x1;
	s31 =	sor.u32 s3, s30;
	s10 =	sadd.s32 s10, s7  }
0xc: {  	s7 =	sadd.s32 $0x4F9400, s8;
	s29 =	sshrl.u32 s11, $0x2;
	s10 =	sshrl.u32 s10, $0x3  }
0xd: {  	s14 =	ssub.s32 s12, s28;
	s13 =	sadd.s32 s10, s8;
	s8 =	sadd.s32 s29, s2  }
0xe: {  	s12 =	smul.u32 $0x2710, s31;
	s14 =	smax.u32 s14, $0x1;
	s9 =	sadd.s32 $0x6400, s8  }
0xf: {  	v0 =	vimm.f32 $0.0e+00;
	s10 =	sadd.s32 $0xC800, s8;
	s11 =	sadd.s32 $0x12C00, s8;
	s13 =	sadd.s32 $0x17400, s13  }
.LBB2_1:
0x10: {  	s23 =	sand.u32 $0x1FE00, s4  }
0x11: {  	s24 =	sand.u32 $0x70, s4;
	s25 =	sshrl.u32 s23, $0x2  }
0x12: {  	s23 =	simm.s32 $0x40;
	s25 =	sor.u32 s24, s25;
	s24 =	simm.s32 $0x0  }
.LBB2_2:
0x13: {  	p0 =	sne.s32 s23, $0x18FC0  }
0x14: {  	[tilespmem:s25+$0x14E80] =	vst v0;
	s24 =	sadd.s32 $0x10, s24;
	s25 =	smov.u32 s23;
	s23 =	sadd.s32 $0x40, s23  }
.Ltmp0:
0x15: {  	(pc) =	sbr.rel @p0 .LBB2_2-.Ltmp0, $4  }
0x16: {  	_ = 	snop  }
0x17: {  	s25 =	sand.u32 $0x1FE00, s25  }
0x18: {  	s26 =	sand.u32 $0x70, s24;
	s25 =	sshrl.u32 s25, $0x2  }
0x19: {  	s25 =	sor.u32 s26, s25  }
0x1a: {  	[tilespmem:s25+$0x14E80] =	vst v0  }
0x1b: {  	[spmem:s8] =	stream.linear.scatter [tilespmem:s15], [sflag:$0x2], $0x6400, $0x38;
	[tilespmem:$0x1B280] =	vst v63  }
0x1c: {  	_ =	swait.ge [sflag:s16], $0x6400  }
0x1d: {  	[sflag:s16] =	ssyncset.done $0x0  }
0x1e: {  	[sflag:s16] =	ssyncadd.s32 $0xFFFF9C00  }
0x1f: {  	[spmem:s9] =	stream.linear.scatter [tilespmem:s15], [sflag:$0x2], $0x6400, $0x38;
	[tilespmem:$0x1B280] =	vst v63  }
0x20: {  	_ =	swait.ge [sflag:s16], $0x6400  }
0x21: {  	[sflag:s16] =	ssyncset.done $0x0  }
0x22: {  	[sflag:s16] =	ssyncadd.s32 $0xFFFF9C00  }
0x23: {  	[spmem:s10] =	stream.linear.scatter [tilespmem:s15], [sflag:$0x2], $0x6400, $0x38;
	[tilespmem:$0x1B280] =	vst v63  }
0x24: {  	_ =	swait.ge [sflag:s16], $0x6400  }
0x25: {  	[sflag:s16] =	ssyncset.done $0x0  }
0x26: {  	[sflag:s16] =	ssyncadd.s32 $0xFFFF9C00  }
0x27: {  	[spmem:s11] =	stream.linear.scatter [tilespmem:s15], [sflag:$0x2], $0x1400, $0x38;
	[tilespmem:$0x1B280] =	vst v63  }
0x28: {  	_ =	swait.ge [sflag:s16], $0x1400  }
0x29: {  	[sflag:s16] =	ssyncset.done $0x0  }
0x2a: {  	[sflag:s16] =	ssyncadd.s32 $0xFFFFEC00  }
0x2b: {  	s23 =	simm.s32 $0x0;
	s24 =	simm.s32 $0x0;
	[bflag:$0x0] =	sbarrier.arrive $0xFFFF  }
.LBB2_4:
0x2c: {  	s25 =	smul.u32 $0xC8, s24;
	_ =	sdelay $0x1  }
0x2d: {  	s25 =	sadd.s32 s12, s25  }
0x2e: {  	s26 =	sshrl.u32 s25, $0x3  }
0x2f: {  	s28 =	sadd.s32 s5, s26  }
0x30: {  	[tilespmem:s17], [sflag:$0x2] =	stream.linear.gather [hbm4b:s28+s23], $0xC8, $0x38;
	[tilespmem:$0x1B280] =	vst v63  }
0x31: {  	_ =	swait.ge [sflag:s16], $0xC8  }
0x32: {  	[sflag:s16] =	ssyncset.done $0x0  }
0x33: {  	s26 =	sadd.s32 s6, s26;
	[sflag:s16] =	ssyncadd.s32 $0xFFFFFF38  }
0x34: {  	[tilespmem:s18], [sflag:$0x2] =	stream.linear.gather [hbm4b:s26+s23], $0xC8, $0x38;
	[tilespmem:$0x1B280] =	vst v63  }
0x35: {  	_ =	swait.ge [sflag:s16], $0xC8  }
0x36: {  	s25 =	sshll.u32 s25, $0x1;
	[sflag:s16] =	ssyncset.done $0x0  }
0x37: {  	s25 =	sadd.s32 s7, s25;
	[sflag:s16] =	ssyncadd.s32 $0xFFFFFF38  }
0x38: {  	[tilespmem:s19], [sflag:$0x2] =	stream.linear.gather [hbm4b:s25+s23], $0xC80, $0x38;
	[tilespmem:$0x1B280] =	vst v63  }
0x39: {  	_ =	swait.ge [sflag:s16], $0xC80  }
0x3a: {  	[sflag:s16] =	ssyncset.done $0x0  }
0x3b: {  	[sflag:s16] =	ssyncadd.s32 $0xFFFFF380  }
0x3c: {  	[tilespmem:s15], [sflag:$0x1] =	stream.indirect.gather [hbm4b:s1+s20], $0x80, s17, s20, $0xb8;
	[tilespmem:$0x1B280] =	vst v63  }
0x3d: {  	_ =	swait.ge [sflag:s21], $0x6400  }
0x3e: {  	[sflag:s21] =	ssyncset.done $0x0  }
0x3f: {  	s25 =	simm.s32 $0x14EC0;
	[sflag:s21] =	ssyncadd.s32 $0xFFFF9C00  }
0x40: {  	v5 =	vld [tilespmem:s25+$0x30]  }
0x41: {  	v8 =	vld [tilespmem:s25+$0x10]  }
0x42: {  	s31 =	simm.s32 $0x0;
	v6 =	vld [tilespmem:s25+$0xFFFFFFC0]  }
0x43: {  	v2 =	vld [tilespmem:s31+$0x14200]  }
0x44: {  	v10 =	vld [tilespmem:s25+$0xFFFFFFE0]  }
0x45: {  	v1 =	vld [tilespmem:s25+$0xFFFFFFF0]  }
0x46: {  	v3 =	vld [tilespmem:s25+$0x20]  }
0x47: {  	v4 =	vld [tilespmem:s25+$0xFFFFFFD0]  }
0x48: {  	v9 =	vmul.f32 v5, v2;
	v5 =	vld [tilespmem:s25+$0x0]  }
0x49: {  	v7 =	vmul.f32 v6, v2  }
0x4a: {  	s28 =	simm.s32 $0x14EC0;
	s26 =	simm.s32 $0x40;
	v6 =	vmul.f32 v10, v2;
	v8 =	vmul.f32 v8, v2  }
.LBB2_5:
0x4b: {  	p0 =	sne.s32 s26, $0x31C0  }
0x4c: {  	v4 =	vmul.f32 v4, v2;
	v3 =	vmul.f32 v3, v2;
	[tilespmem:s25+$0x30] =	vst v9;
	s28 =	sadd.s32 $0x80, s28;
	s29 =	smov.u32 s26;
	s26 =	sadd.s32 $0x40, s26  }
0x4d: {  	[tilespmem:s25+$0xFFFFFFC0] =	vst v7;
	v7 =	vmul.f32 v1, v2;
	v2 =	vmul.f32 v5, v2  }
0x4e: {  	[tilespmem:s25+$0x10] =	vst v8  }
0x4f: {  	v1 =	vld [tilespmem:s28+$0xFFFFFFF0];
	[tilespmem:s25+$0xFFFFFFE0] =	vst v6  }
0x50: {  	v6 =	vld [tilespmem:s28+$0x30];
	[tilespmem:s25+$0xFFFFFFF0] =	vst v7  }
0x51: {  	v8 =	vld [tilespmem:s28+$0x10];
	[tilespmem:s25+$0x0] =	vst v2  }
0x52: {  	v7 =	vld [tilespmem:s28+$0xFFFFFFC0];
	[tilespmem:s25+$0x20] =	vst v3  }
0x53: {  	s29 =	sshra.s32 s29, $0x2;
	v10 =	vld [tilespmem:s28+$0xFFFFFFE0];
	[tilespmem:s25+$0xFFFFFFD0] =	vst v4;
	s25 =	smov.u32 s28  }
0x54: {  	v2 =	vld [tilespmem:s29+$0x14200]  }
0x55: {  	v3 =	vld [tilespmem:s28+$0x20]  }
.Ltmp1:
0x56: {  	v4 =	vld [tilespmem:s28+$0xFFFFFFD0];
	(pc) =	sbr.rel @p0 .LBB2_5-.Ltmp1, $3  }
0x57: {  	v5 =	vld [tilespmem:s28+$0x0];
	_ =	sdelay $0x1  }
0x58: {  	v7 =	vmul.f32 v7, v2;
	v9 =	vmul.f32 v6, v2  }
0x59: {  	v6 =	vmul.f32 v10, v2;
	v8 =	vmul.f32 v8, v2  }
0x5a: {  	[tilespmem:s25+$0x30] =	vst v9  }
0x5b: {  	[tilespmem:s25+$0xFFFFFFC0] =	vst v7  }
0x5c: {  	v1 =	vmul.f32 v1, v2;
	[tilespmem:s25+$0x10] =	vst v8  }
0x5d: {  	v3 =	vmul.f32 v3, v2;
	[tilespmem:s25+$0xFFFFFFE0] =	vst v6  }
0x5e: {  	v5 =	vmul.f32 v5, v2;
	[tilespmem:s25+$0xFFFFFFF0] =	vst v1  }
0x5f: {  	s24 =	sadd.s32 $0x1, s24;
	v1 =	vmul.f32 v4, v2;
	[tilespmem:s25+$0x20] =	vst v3  }
0x60: {  	p0 =	sne.s32 s24, $0x32;
	[tilespmem:s25+$0x0] =	vst v5  }
.Ltmp2:
0x61: {  	[tilespmem:s25+$0xFFFFFFD0] =	vst v1;
	(pc) =	sbr.rel @p0 .LBB2_4-.Ltmp2, $4  }
0x62: {  	[spmem:s2] =	stream.indirect.scatter.add.f32 [tilespmem:s15], [sflag:$0x2], $0x80, s18, s20, $0xb8;
	[tilespmem:$0x1B280] =	vst v63  }
0x63: {  	_ =	swait.ge [sflag:s16], $0x6400  }
0x64: {  	[sflag:s16] =	ssyncset.done $0x0  }
0x65: {  	[sflag:s16] =	ssyncadd.s32 $0xFFFF9C00  }
0x66: {  	s22 =	sadd.s32 $0x1, s22  }
0x67: {  	s23 =	sshll.u32 s3, $0x6;
	[bflag:$0x0] =	sbarrier.arrive $0xFFFF;
	p0 =	sne.s32 s22, s14  }
.Ltmp3:
0x68: {  	s24 =	sshrl.u32 s8, $0x3;
	s23 =	sor.u32 $0x1C02, s23;
	(pc) =	sbr.rel @p0 .LBB2_1-.Ltmp3, $4  }
0x69: {  	[hbm:s13], [sflag:s23] =	dma.local [spmem:s24], $0x2800  }
0x6a: {  	_ =	swait.ge [sflag:s16], $0x2800  }
0x6b: {  	[sflag:s16] =	ssyncset.done $0x0  }
0x6c: {  	[sflag:s16] =	ssyncadd.s32 $0xFFFFD800  }
0x6d: {  	_ =	sfence.sel $0x180000  }
0x6e: {  	[bflag:$0x0] =	sbarrier.arrive $0xFFFF  }
0x6f: {  	p0 =	sne.s32 s3, $0x0;
	_ =	strace $0x90000047  }
0x70: {  	s0 =	sadd.s32 @!p0 $0x100000, s0;
	[bflag:$0x2] =	sbarrier.arrive $0xFFFF  }
0x71: {  	[sflag:s0] =	ssyncadd.tile.s32 @!p0 $0x1;
	_ =	shalt  }
.Lfunc_end2:
_tile_overlayer_lowered:
.L_overlay_start_2:
0x72: {  	(tag) =	ssettag $0x2  }
0x73: {  	s0 =	rddreg [dreg:$0x0];
	s2 =	stileid.u32  }
0x74: {  	s1 =	rddreg [dreg:$0x1];
	p0 =	sne.s32 s2, $0x0  }
0x75: {  	s3 =	rddreg [dreg:$0x2];
	[bflag:$0x3] =	sbarrier.arrive $0xFFFF;
	s2 =	simm.s32 @!p0 $0x1C02  }
0x76: {  	[timem:s3], [sflag:s2] =	dma.local @!p0 [hbm:s0], s1  }
0x77: {  	s0 =	simm.s32 @!p0 $0x2  }
0x78: {  	_ =	swait.ge @!p0 [sflag:s0], s1  }
0x79: {  	s1 =	ssub.s32 @!p0 $0x0, s1;
	[sflag:s0] =	ssyncset.done @!p0 $0x0  }
0x7a: {  	[sflag:s0] =	ssyncadd.s32 @!p0 s1  }
0x7b: {  	[bflag:$0x3] =	sbarrier.arrive $0xFFFF  }
0x7c: {  	_ =	shalt  }

</sc_bundles>
